<compile_context>
chip_gen: v7x
topology: tpu7x:2x2x1
jax: 0.10.2.dev20260603
libtpu: 0.0.44.dev20260713+nightly
codegen_flags: <defaults>
</compile_context>

<pallas_src>
import functools

import jax
import jax.numpy as jnp
from jax import lax
from jax.experimental import pallas as pl
from jax.experimental.pallas import tpu as pltpu
from jax.experimental.pallas import tpu_sc as plsc

E = 64
K = 2
D = 768
DFF = 256
DSH = 512
T = 2048
R = 128
NT = T * K // R + E
NP = NT * R
NC, NS = 2, 16
NW = NC * NS

_HI = jax.lax.Precision.HIGHEST


def _gate_body(x_ref, gw_ref, i1_ref, i2_ref, w1_ref, w2_ref):
    x = x_ref[...]
    gw = gw_ref[...]
    logits = lax.dot_general(x, gw, (((1,), (1,)), ((), ())),
                             preferred_element_type=jnp.float32)
    m = jnp.max(logits, axis=-1, keepdims=True)
    p = jnp.exp(logits - m)
    probs = p / jnp.sum(p, axis=-1, keepdims=True)
    e_iota = lax.broadcasted_iota(jnp.int32, probs.shape, 1)
    v1 = jnp.max(probs, axis=-1, keepdims=True)
    i1 = jnp.min(jnp.where(probs == v1, e_iota, E), axis=-1, keepdims=True)
    masked = jnp.where(e_iota == i1, -jnp.inf, probs)
    v2 = jnp.max(masked, axis=-1, keepdims=True)
    i2 = jnp.min(jnp.where(masked == v2, e_iota, E), axis=-1, keepdims=True)
    denom = v1 + v2 + 1e-20
    i1_ref[...] = i1
    i2_ref[...] = i2
    w1_ref[...] = v1 / denom
    w2_ref[...] = v2 / denom


def _gate(x, gate_w):
    n = 8
    tb = T // n
    return pl.pallas_call(
        _gate_body,
        grid=(n,),
        in_specs=[
            pl.BlockSpec((tb, D), lambda i: (i, 0)),
            pl.BlockSpec((E, D), lambda i: (0, 0)),
        ],
        out_specs=[
            pl.BlockSpec((tb, 1), lambda i: (i, 0)),
            pl.BlockSpec((tb, 1), lambda i: (i, 0)),
            pl.BlockSpec((tb, 1), lambda i: (i, 0)),
            pl.BlockSpec((tb, 1), lambda i: (i, 0)),
        ],
        out_shape=[
            jax.ShapeDtypeStruct((T, 1), jnp.int32),
            jax.ShapeDtypeStruct((T, 1), jnp.int32),
            jax.ShapeDtypeStruct((T, 1), jnp.float32),
            jax.ShapeDtypeStruct((T, 1), jnp.float32),
        ],
    )(x, gate_w)


def _route_body(i0_ref, i1_ref, dest_ref, te_ref):
    ids = jnp.concatenate([i0_ref[...], i1_ref[...]], axis=0)
    rj, cj = ids.shape
    e3 = lax.broadcasted_iota(jnp.int32, (E, rj, cj), 0)
    bf = jnp.bfloat16
    f32 = jnp.float32
    oh = (ids[None, :, :] == e3).astype(f32)
    ohb = oh.astype(bf)

    cu = lax.broadcasted_iota(jnp.int32, (cj, cj), 0)
    cl = lax.broadcasted_iota(jnp.int32, (cj, cj), 1)
    u_strict = (cu < cl).astype(bf)
    ones_c = jnp.ones((cj, cj), bf)
    r0_3 = lax.broadcasted_iota(jnp.int32, (E, rj, rj), 1)
    r1_3 = lax.broadcasted_iota(jnp.int32, (E, rj, rj), 2)
    l_strict3 = (r1_3 < r0_3).astype(bf)
    ones_r3 = jnp.ones((E, rj, rj), bf)

    term1 = lax.dot_general(ohb, u_strict, (((2,), (0,)), ((), ())),
                            preferred_element_type=f32)
    rowsum3 = lax.dot_general(ohb, ones_c, (((2,), (0,)), ((), ())),
                              preferred_element_type=f32).astype(bf)
    term2 = lax.dot_general(l_strict3, rowsum3, (((2,), (1,)), ((0,), (0,))),
                            preferred_element_type=f32)
    counts3 = lax.dot_general(ones_r3, rowsum3, (((2,), (1,)), ((0,), (0,))),
                              preferred_element_type=f32)

    n3 = jnp.floor((counts3 + (R - 1)) / R)
    el0 = lax.broadcasted_iota(jnp.int32, (E, E), 0)
    el1 = lax.broadcasted_iota(jnp.int32, (E, E), 1)
    e_strict = (el1 < el0).astype(bf)
    otiles3 = lax.dot_general(e_strict, n3.astype(bf), (((1,), (0,)), ((), ())),
                              preferred_element_type=f32)

    dest_f = jnp.sum(oh * (otiles3 * R + term1 + term2), axis=0)
    dest_ref[...] = jnp.round(dest_f).astype(jnp.int32)

    ends3 = otiles3 + n3
    i_iota = lax.broadcasted_iota(jnp.int32, (E, rj, cj), 2).astype(jnp.float32)
    te_f = jnp.sum((ends3 <= i_iota).astype(jnp.float32), axis=0)
    te = jnp.minimum(te_f, E - 1).astype(jnp.int32)
    te_ref[...] = te[:8, :]


def _route(ids0, ids1):
    return pl.pallas_call(
        _route_body,
        in_specs=[
            pl.BlockSpec((16, 128), lambda: (0, 0)),
            pl.BlockSpec((16, 128), lambda: (0, 0)),
        ],
        out_specs=[
            pl.BlockSpec((32, 128), lambda: (0, 0)),
            pl.BlockSpec((8, 128), lambda: (0, 0)),
        ],
        out_shape=[
            jax.ShapeDtypeStruct((32, 128), jnp.int32),
            jax.ShapeDtypeStruct((8, 128), jnp.int32),
        ],
    )(ids0, ids1)


def _dispatch_body(x_hbm, dest_hbm, xs_hbm, da_v, db_v, ra_v, rb_v,
                   sem_i, sem_o):
    wid = lax.axis_index("s") * NC + lax.axis_index("c")
    hp = T * K // NW // 2
    base = wid * (T * K // NW)
    tok_base = lax.rem(base, T)
    pltpu.sync_copy(dest_hbm.at[pl.ds(base, hp)], da_v)
    pltpu.sync_copy(dest_hbm.at[pl.ds(base + hp, hp)], db_v)
    in0 = pltpu.async_copy(x_hbm.at[pl.ds(tok_base, hp)], ra_v, sem_i)
    in1 = pltpu.async_copy(x_hbm.at[pl.ds(tok_base + hp, hp)], rb_v, sem_i)
    in0.wait()
    o0 = pltpu.async_copy(ra_v, xs_hbm.at[da_v], sem_o)
    in1.wait()
    o1 = pltpu.async_copy(rb_v, xs_hbm.at[db_v], sem_o)
    o0.wait()
    o1.wait()


def _sc_dispatch(x, dest_flat):
    mesh = plsc.VectorSubcoreMesh(core_axis_name="c", subcore_axis_name="s",
                                  num_cores=NC, num_subcores=NS)
    f = pl.kernel(
        _dispatch_body,
        out_type=jax.ShapeDtypeStruct((NP, D // 2), jnp.int32),
        mesh=mesh,
        scratch_types=[
            pltpu.VMEM((T * K // NW // 2,), jnp.int32),
            pltpu.VMEM((T * K // NW // 2,), jnp.int32),
            pltpu.VMEM((T * K // NW // 2, D // 2), jnp.int32),
            pltpu.VMEM((T * K // NW // 2, D // 2), jnp.int32),
            pltpu.SemaphoreType.DMA,
            pltpu.SemaphoreType.DMA,
        ],
    )
    return f(x, dest_flat)


def _expert_body(te_ref, xs_ref, wg_ref, wu_ref, wd_ref, ys_ref):
    xs = xs_ref[...]
    wg = wg_ref[0].astype(jnp.bfloat16)
    wu = wu_ref[0].astype(jnp.bfloat16)
    wd = wd_ref[0].astype(jnp.bfloat16)
    g = lax.dot_general(xs, wg, (((1,), (1,)), ((), ())),
                        preferred_element_type=jnp.float32)
    u = lax.dot_general(xs, wu, (((1,), (1,)), ((), ())),
                        preferred_element_type=jnp.float32)
    h = ((g * lax.logistic(g)) * u).astype(jnp.bfloat16)
    ys_ref[...] = lax.dot_general(h, wd, (((1,), (1,)), ((), ())),
                                  preferred_element_type=jnp.float32)


def _experts(te, xs, Wg, Wu, Wd):
    grid_spec = pltpu.PrefetchScalarGridSpec(
        num_scalar_prefetch=1,
        grid=(NT,),
        in_specs=[
            pl.BlockSpec((R, D), lambda i, te: (i, 0)),
            pl.BlockSpec((1, DFF, D), lambda i, te: (te[i], 0, 0)),
            pl.BlockSpec((1, DFF, D), lambda i, te: (te[i], 0, 0)),
            pl.BlockSpec((1, D, DFF), lambda i, te: (te[i], 0, 0)),
        ],
        out_specs=pl.BlockSpec((R, D), lambda i, te: (i, 0)),
    )
    return pl.pallas_call(
        _expert_body,
        grid_spec=grid_spec,
        out_shape=jax.ShapeDtypeStruct((NP, D), jnp.float32),
        compiler_params=pltpu.CompilerParams(
            dimension_semantics=("arbitrary",)),
    )(te, xs, Wg, Wu, Wd)


def _combine_body(ys_hbm, d0_hbm, d1_hbm, r0_hbm, r1_hbm, i0_v, i1_v,
                  ra_v, rb_v, sem_i, sem_o):
    wid = lax.axis_index("s") * NC + lax.axis_index("c")
    nt = T // NW
    base = wid * nt
    pltpu.sync_copy(d0_hbm.at[pl.ds(base, nt)], i0_v)
    pltpu.sync_copy(d1_hbm.at[pl.ds(base, nt)], i1_v)
    g0 = pltpu.async_copy(ys_hbm.at[i0_v], ra_v, sem_i)
    g1 = pltpu.async_copy(ys_hbm.at[i1_v], rb_v, sem_i)
    g0.wait()
    o0 = pltpu.async_copy(ra_v, r0_hbm.at[pl.ds(base, nt)], sem_o)
    g1.wait()
    o1 = pltpu.async_copy(rb_v, r1_hbm.at[pl.ds(base, nt)], sem_o)
    o0.wait()
    o1.wait()


def _sc_combine(ys, d0, d1):
    mesh = plsc.VectorSubcoreMesh(core_axis_name="c", subcore_axis_name="s",
                                  num_cores=NC, num_subcores=NS)
    f = pl.kernel(
        _combine_body,
        out_type=(
            jax.ShapeDtypeStruct((T, D), jnp.float32),
            jax.ShapeDtypeStruct((T, D), jnp.float32),
        ),
        mesh=mesh,
        scratch_types=[
            pltpu.VMEM((T // NW,), jnp.int32),
            pltpu.VMEM((T // NW,), jnp.int32),
            pltpu.VMEM((T // NW, D), jnp.float32),
            pltpu.VMEM((T // NW, D), jnp.float32),
            pltpu.SemaphoreType.DMA,
            pltpu.SemaphoreType.DMA,
        ],
    )
    return f(ys, d0, d1)


def _shared_body(x_ref, sg_ref, su_ref, sd_ref, sh_ref):
    x = x_ref[...].astype(jnp.bfloat16)
    sg = sg_ref[...].astype(jnp.bfloat16)
    su = su_ref[...].astype(jnp.bfloat16)
    sd = sd_ref[...].astype(jnp.bfloat16)
    g = lax.dot_general(x, sg, (((1,), (1,)), ((), ())),
                        preferred_element_type=jnp.float32)
    u = lax.dot_general(x, su, (((1,), (1,)), ((), ())),
                        preferred_element_type=jnp.float32)
    h = ((g * lax.logistic(g)) * u).astype(jnp.bfloat16)
    sh_ref[...] = lax.dot_general(h, sd, (((1,), (1,)), ((), ())),
                                  preferred_element_type=jnp.float32)


def _shared(x, Sg, Su, Sd):
    n = 8
    tb = T // n
    return pl.pallas_call(
        _shared_body,
        grid=(n,),
        in_specs=[
            pl.BlockSpec((tb, D), lambda i: (i, 0)),
            pl.BlockSpec((DSH, D), lambda i: (0, 0)),
            pl.BlockSpec((DSH, D), lambda i: (0, 0)),
            pl.BlockSpec((D, DSH), lambda i: (0, 0)),
        ],
        out_specs=pl.BlockSpec((tb, D), lambda i: (i, 0)),
        out_shape=jax.ShapeDtypeStruct((T, D), jnp.float32),
    )(x, Sg, Su, Sd)


def _mix_body(sh_ref, r0_ref, r1_ref, w1_ref, w2_ref, y_ref):
    y_ref[...] = (sh_ref[...] + w1_ref[...] * r0_ref[...]
                  + w2_ref[...] * r1_ref[...])


def _mix(sh, r0, r1, w1, w2):
    n = 8
    tb = T // n
    return pl.pallas_call(
        _mix_body,
        grid=(n,),
        in_specs=[
            pl.BlockSpec((tb, D), lambda i: (i, 0)),
            pl.BlockSpec((tb, D), lambda i: (i, 0)),
            pl.BlockSpec((tb, D), lambda i: (i, 0)),
            pl.BlockSpec((tb, 1), lambda i: (i, 0)),
            pl.BlockSpec((tb, 1), lambda i: (i, 0)),
        ],
        out_specs=pl.BlockSpec((tb, D), lambda i: (i, 0)),
        out_shape=jax.ShapeDtypeStruct((T, D), jnp.float32),
    )(sh, r0, r1, w1, w2)


@jax.jit
def kernel(hidden_states, gate_w, Wg, Wu, Wd, Sg, Su, Sd):
    orig_shape = hidden_states.shape
    x = hidden_states.reshape(T, D)
    i1, i2, w1, w2 = _gate(x, gate_w)
    dest, te8 = _route(i1.reshape(16, 128), i2.reshape(16, 128))
    dest_flat = dest.reshape(T * K)
    te = te8[0]
    xb = lax.bitcast_convert_type(
        x.astype(jnp.bfloat16).reshape(T, D // 2, 2), jnp.int32)
    xs32 = _sc_dispatch(xb, dest_flat)
    xs = lax.bitcast_convert_type(xs32, jnp.bfloat16).reshape(NP, D)
    sh = _shared(x, Sg, Su, Sd)
    ys = _experts(te, xs, Wg, Wu, Wd)
    r0, r1 = _sc_combine(ys, dest_flat[:T], dest_flat[T:])
    y = _mix(sh, r0, r1, w1, w2)
    return y.reshape(orig_shape)

# --- scband reference (transcript-rebuilt; emitter-appended) ---
"""Pipeline reference for scband-mo-e-44513041056360 (READ-ONLY COPY).

The authoritative reference and input builder live on the scoring server;
editing this copy changes nothing except your own understanding.
"""

import jax, jax.numpy as jnp
import numpy as np

E = 64        # n_routed_experts
TOPK = 2      # num_experts_per_tok
D = 768       # hidden_size
DFF = 256     # moe_intermediate_size
DSH = 512     # moe_intermediate_size * n_shared_experts
B, S = 1, 2048


def setup_inputs(seed: int = 0) -> dict:
    key = jax.random.key(seed)
    ks = jax.random.split(key, 8)
    hidden_states = jax.random.normal(ks[0], (B, S, D), dtype=jnp.float32)
    # MoEGate linear weight (torch nn.Linear convention: [out, in])
    gate_w = jax.random.normal(ks[1], (E, D), dtype=jnp.float32) * 0.02
    # Routed experts: gated SiLU MLP (gate_proj, up_proj, down_proj), stacked over experts
    Wg = jax.random.normal(ks[2], (E, DFF, D), dtype=jnp.float32) * 0.02
    Wu = jax.random.normal(ks[3], (E, DFF, D), dtype=jnp.float32) * 0.02
    Wd = jax.random.normal(ks[4], (E, D, DFF), dtype=jnp.float32) * 0.02
    # Shared experts MLP (intermediate = moe_intermediate_size * n_shared_experts)
    Sg = jax.random.normal(ks[5], (DSH, D), dtype=jnp.float32) * 0.02
    Su = jax.random.normal(ks[6], (DSH, D), dtype=jnp.float32) * 0.02
    Sd = jax.random.normal(ks[7], (D, DSH), dtype=jnp.float32) * 0.02
    return {"hidden_states": hidden_states, "gate_w": gate_w, "Wg": Wg, "Wu": Wu,
            "Wd": Wd, "Sg": Sg, "Su": Su, "Sd": Sd}


def reference(hidden_states, gate_w, Wg, Wu, Wd, Sg, Su, Sd):
    orig_shape = hidden_states.shape
    x = hidden_states.reshape(-1, orig_shape[-1])  # [T, D]
    # --- MoEGate: softmax scoring + top-k + renormalize (norm_topk_prob) ---
    logits = x @ gate_w.T                                    # [T, E]
    scores = jax.nn.softmax(logits, axis=-1)
    topk_weight, topk_idx = jax.lax.top_k(scores, TOPK)      # [T, K]
    topk_weight = topk_weight / (jnp.sum(topk_weight, axis=-1, keepdims=True) + 1e-20)
    # --- moe_infer: each token processed by its top-k experts (math-equivalent
    # dense-all-experts compute, then gather the selected experts' outputs) ---
    g = jnp.einsum('td,efd->tef', x, Wg)                     # [T, E, DFF]
    u = jnp.einsum('td,efd->tef', x, Wu)
    h = jax.nn.silu(g) * u
    out_all = jnp.einsum('tef,edf->ted', h, Wd)              # [T, E, D]
    out_sel = jnp.take_along_axis(out_all, topk_idx[:, :, None], axis=1)  # [T, K, D]
    y = jnp.sum(out_sel * topk_weight[:, :, None].astype(out_sel.dtype), axis=1)  # [T, D]
    # --- shared experts on identity ---
    sh = (jax.nn.silu(x @ Sg.T) * (x @ Su.T)) @ Sd.T         # [T, D]
    y = y + sh
    return y.reshape(orig_shape)

if __name__ == "__main__":
    import jax
    _d = setup_inputs()
    print(jax.jit(kernel)(*tuple(_d.values())))

</pallas_src>

<mosaic_0001>
#map = affine_map<(d0, d1) -> (0, 0)>
#map1 = affine_map<(d0, d1) -> (0)>
module attributes {stable_mosaic.version = 14 : i64} {
  func.func @_dispatch_body(%arg0: i32, %arg1: i32, %arg2: memref<2048x384xi32, #tpu.memory_space<hbm>>, %arg3: memref<4096xi32, #tpu.memory_space<hbm>>, %arg4: memref<12288x384xi32, #tpu.memory_space<hbm>>, %arg5: memref<64xi32, #tpu.memory_space<vmem>>, %arg6: memref<64xi32, #tpu.memory_space<vmem>>, %arg7: memref<64x384xi32, #tpu.memory_space<vmem>>, %arg8: memref<64x384xi32, #tpu.memory_space<vmem>>, %arg9: memref<!tpu.dma_semaphore, #tpu.memory_space<semaphore_mem>>, %arg10: memref<!tpu.dma_semaphore, #tpu.memory_space<semaphore_mem>>) attributes {dimension_semantics = [#tpu.dimension_semantics<core_parallel>, #tpu.dimension_semantics<subcore_parallel>], iteration_bounds = array<i64: 2, 16>, scalar_prefetch = 0 : i64, scratch_operands = 6 : i64, tpu.core_type = #tpu.core_type<sc_vector_subcore>, window_params = [{transform_indices = #map}, {transform_indices = #map1}, {transform_indices = #map}]} {
    %mul3A = arith.constant 2 : i32
    %mul3A_0 = arith.muli %arg1, %mul3A : i32
    %add3A = arith.addi %mul3A_0, %arg0 : i32
    %mul3A_1 = arith.constant 128 : i32
    %mul3A_2 = arith.muli %add3A, %mul3A_1 : i32
    %rem3A = arith.constant 2048 : i32
    %rem3A_3 = arith.remsi %mul3A_2, %rem3A : i32
    "tpu.region"() ({
      %run_scoped3A = tpu.sem_alloc : memref<!tpu.dma_semaphore, #tpu.memory_space<semaphore_mem>>
      %dma_start3A_34 = tpu.memref_slice %arg3[%mul3A_2] : memref<4096xi32, #tpu.memory_space<hbm>> -> memref<64xi32, #tpu.memory_space<hbm>>
      %dma_start3A_35 = tpu.memref_slice %arg3[%mul3A_2] : memref<4096xi32, #tpu.memory_space<hbm>> -> memref<64xi32, #tpu.memory_space<hbm>>
      tpu.enqueue_dma source(%dma_start3A_35 : memref<64xi32, #tpu.memory_space<hbm>>) target(%arg5 : memref<64xi32, #tpu.memory_space<vmem>>) target_semaphore(%run_scoped3A : memref<!tpu.dma_semaphore, #tpu.memory_space<semaphore_mem>>)
      %dma_wait3A_36 = tpu.memref_slice %arg3[%mul3A_2] : memref<4096xi32, #tpu.memory_space<hbm>> -> memref<64xi32, #tpu.memory_space<hbm>>
      %dma_wait3A_37 = tpu.memref_slice %arg3[%mul3A_2] : memref<4096xi32, #tpu.memory_space<hbm>> -> memref<64xi32, #tpu.memory_space<hbm>>
      tpu.wait_dma2 semaphore(%run_scoped3A : memref<!tpu.dma_semaphore, #tpu.memory_space<semaphore_mem>>) src(%dma_wait3A_37 : memref<64xi32, #tpu.memory_space<hbm>>) dst(%arg5 : memref<64xi32, #tpu.memory_space<vmem>>)
      tpu.yield
    }) : () -> ()
    %add3A_4 = arith.constant 64 : i32
    %add3A_5 = arith.addi %mul3A_2, %add3A_4 : i32
    "tpu.region"() ({
      %run_scoped3A = tpu.sem_alloc : memref<!tpu.dma_semaphore, #tpu.memory_space<semaphore_mem>>
      %dma_start3A_34 = tpu.memref_slice %arg3[%add3A_5] : memref<4096xi32, #tpu.memory_space<hbm>> -> memref<64xi32, #tpu.memory_space<hbm>>
      %dma_start3A_35 = tpu.memref_slice %arg3[%add3A_5] : memref<4096xi32, #tpu.memory_space<hbm>> -> memref<64xi32, #tpu.memory_space<hbm>>
      tpu.enqueue_dma source(%dma_start3A_35 : memref<64xi32, #tpu.memory_space<hbm>>) target(%arg6 : memref<64xi32, #tpu.memory_space<vmem>>) target_semaphore(%run_scoped3A : memref<!tpu.dma_semaphore, #tpu.memory_space<semaphore_mem>>)
      %dma_wait3A_36 = tpu.memref_slice %arg3[%add3A_5] : memref<4096xi32, #tpu.memory_space<hbm>> -> memref<64xi32, #tpu.memory_space<hbm>>
      %dma_wait3A_37 = tpu.memref_slice %arg3[%add3A_5] : memref<4096xi32, #tpu.memory_space<hbm>> -> memref<64xi32, #tpu.memory_space<hbm>>
      tpu.wait_dma2 semaphore(%run_scoped3A : memref<!tpu.dma_semaphore, #tpu.memory_space<semaphore_mem>>) src(%dma_wait3A_37 : memref<64xi32, #tpu.memory_space<hbm>>) dst(%arg6 : memref<64xi32, #tpu.memory_space<vmem>>)
      tpu.yield
    }) : () -> ()
    %dma_start3A = arith.constant 0 : i32
    %dma_start3A_6 = tpu.memref_slice %arg2[%rem3A_3, %dma_start3A] : memref<2048x384xi32, #tpu.memory_space<hbm>> -> memref<64x384xi32, #tpu.memory_space<hbm>>
    %dma_start3A_7 = arith.constant 0 : i32
    %dma_start3A_8 = tpu.memref_slice %arg2[%rem3A_3, %dma_start3A_7] : memref<2048x384xi32, #tpu.memory_space<hbm>> -> memref<64x384xi32, #tpu.memory_space<hbm>>
    tpu.enqueue_dma source(%dma_start3A_8 : memref<64x384xi32, #tpu.memory_space<hbm>>) target(%arg7 : memref<64x384xi32, #tpu.memory_space<vmem>>) target_semaphore(%arg9 : memref<!tpu.dma_semaphore, #tpu.memory_space<semaphore_mem>>)
    %add3A_9 = arith.constant 64 : i32
    %add3A_10 = arith.addi %rem3A_3, %add3A_9 : i32
    %dma_start3A_11 = arith.constant 0 : i32
    %dma_start3A_12 = tpu.memref_slice %arg2[%add3A_10, %dma_start3A_11] : memref<2048x384xi32, #tpu.memory_space<hbm>> -> memref<64x384xi32, #tpu.memory_space<hbm>>
    %dma_start3A_13 = arith.constant 0 : i32
    %dma_start3A_14 = tpu.memref_slice %arg2[%add3A_10, %dma_start3A_13] : memref<2048x384xi32, #tpu.memory_space<hbm>> -> memref<64x384xi32, #tpu.memory_space<hbm>>
    tpu.enqueue_dma source(%dma_start3A_14 : memref<64x384xi32, #tpu.memory_space<hbm>>) target(%arg8 : memref<64x384xi32, #tpu.memory_space<vmem>>) target_semaphore(%arg9 : memref<!tpu.dma_semaphore, #tpu.memory_space<semaphore_mem>>)
    %dma_wait3A = arith.constant 0 : i32
    %dma_wait3A_15 = tpu.memref_slice %arg2[%rem3A_3, %dma_wait3A] : memref<2048x384xi32, #tpu.memory_space<hbm>> -> memref<64x384xi32, #tpu.memory_space<hbm>>
    %dma_wait3A_16 = arith.constant 0 : i32
    %dma_wait3A_17 = tpu.memref_slice %arg2[%rem3A_3, %dma_wait3A_16] : memref<2048x384xi32, #tpu.memory_space<hbm>> -> memref<64x384xi32, #tpu.memory_space<hbm>>
    tpu.wait_dma2 semaphore(%arg9 : memref<!tpu.dma_semaphore, #tpu.memory_space<semaphore_mem>>) src(%dma_wait3A_17 : memref<64x384xi32, #tpu.memory_space<hbm>>) dst(%arg7 : memref<64x384xi32, #tpu.memory_space<vmem>>)
    %dma_start3A_18 = arith.constant 0 : i32
    %dma_start3A_19 = arith.constant 0 : i32
    %dma_start3A_20 = tpu.memref_slice %arg4[%dma_start3A_18, %dma_start3A_19] : memref<12288x384xi32, #tpu.memory_space<hbm>> -> memref<12288x384xi32, #tpu.memory_space<hbm>>
    tpu.enqueue_indirect_dma source(%arg7 : memref<64x384xi32, #tpu.memory_space<vmem>>) target(%dma_start3A_20 : memref<12288x384xi32, #tpu.memory_space<hbm>>) offsets(%arg5 : memref<64xi32, #tpu.memory_space<vmem>>) semaphore(%arg10 : memref<!tpu.dma_semaphore, #tpu.memory_space<semaphore_mem>>)
    %dma_wait3A_21 = arith.constant 0 : i32
    %dma_wait3A_22 = tpu.memref_slice %arg2[%add3A_10, %dma_wait3A_21] : memref<2048x384xi32, #tpu.memory_space<hbm>> -> memref<64x384xi32, #tpu.memory_space<hbm>>
    %dma_wait3A_23 = arith.constant 0 : i32
    %dma_wait3A_24 = tpu.memref_slice %arg2[%add3A_10, %dma_wait3A_23] : memref<2048x384xi32, #tpu.memory_space<hbm>> -> memref<64x384xi32, #tpu.memory_space<hbm>>
    tpu.wait_dma2 semaphore(%arg9 : memref<!tpu.dma_semaphore, #tpu.memory_space<semaphore_mem>>) src(%dma_wait3A_24 : memref<64x384xi32, #tpu.memory_space<hbm>>) dst(%arg8 : memref<64x384xi32, #tpu.memory_space<vmem>>)
    %dma_start3A_25 = arith.constant 0 : i32
    %dma_start3A_26 = arith.constant 0 : i32
    %dma_start3A_27 = tpu.memref_slice %arg4[%dma_start3A_25, %dma_start3A_26] : memref<12288x384xi32, #tpu.memory_space<hbm>> -> memref<12288x384xi32, #tpu.memory_space<hbm>>
    tpu.enqueue_indirect_dma source(%arg8 : memref<64x384xi32, #tpu.memory_space<vmem>>) target(%dma_start3A_27 : memref<12288x384xi32, #tpu.memory_space<hbm>>) offsets(%arg6 : memref<64xi32, #tpu.memory_space<vmem>>) semaphore(%arg10 : memref<!tpu.dma_semaphore, #tpu.memory_space<semaphore_mem>>)
    %dma_wait3A_28 = arith.constant 0 : i32
    %dma_wait3A_29 = arith.constant 0 : i32
    %dma_wait3A_30 = tpu.memref_slice %arg4[%dma_wait3A_28, %dma_wait3A_29] : memref<12288x384xi32, #tpu.memory_space<hbm>> -> memref<12288x384xi32, #tpu.memory_space<hbm>>
    tpu.wait_indirect_dma semaphore(%arg10 : memref<!tpu.dma_semaphore, #tpu.memory_space<semaphore_mem>>) src(%arg7 : memref<64x384xi32, #tpu.memory_space<vmem>>) dst(%dma_wait3A_30 : memref<12288x384xi32, #tpu.memory_space<hbm>>)
    %dma_wait3A_31 = arith.constant 0 : i32
    %dma_wait3A_32 = arith.constant 0 : i32
    %dma_wait3A_33 = tpu.memref_slice %arg4[%dma_wait3A_31, %dma_wait3A_32] : memref<12288x384xi32, #tpu.memory_space<hbm>> -> memref<12288x384xi32, #tpu.memory_space<hbm>>
    tpu.wait_indirect_dma semaphore(%arg10 : memref<!tpu.dma_semaphore, #tpu.memory_space<semaphore_mem>>) src(%arg8 : memref<64x384xi32, #tpu.memory_space<vmem>>) dst(%dma_wait3A_33 : memref<12288x384xi32, #tpu.memory_space<hbm>>)
    return
  }
}

#map = affine_map<(d0, d1) -> (0, 0)>
#map1 = affine_map<(d0, d1) -> (0)>
module attributes {stable_mosaic.version = 14 : i64} {
  func.func @_combine_body(%arg0: i32, %arg1: i32, %arg2: memref<12288x768xf32, #tpu.memory_space<hbm>>, %arg3: memref<2048xi32, #tpu.memory_space<hbm>>, %arg4: memref<2048xi32, #tpu.memory_space<hbm>>, %arg5: memref<2048x768xf32, #tpu.memory_space<hbm>>, %arg6: memref<2048x768xf32, #tpu.memory_space<hbm>>, %arg7: memref<64xi32, #tpu.memory_space<vmem>>, %arg8: memref<64xi32, #tpu.memory_space<vmem>>, %arg9: memref<64x768xf32, #tpu.memory_space<vmem>>, %arg10: memref<64x768xf32, #tpu.memory_space<vmem>>, %arg11: memref<!tpu.dma_semaphore, #tpu.memory_space<semaphore_mem>>, %arg12: memref<!tpu.dma_semaphore, #tpu.memory_space<semaphore_mem>>) attributes {dimension_semantics = [#tpu.dimension_semantics<core_parallel>, #tpu.dimension_semantics<subcore_parallel>], iteration_bounds = array<i64: 2, 16>, scalar_prefetch = 0 : i64, scratch_operands = 6 : i64, tpu.core_type = #tpu.core_type<sc_vector_subcore>, window_params = [{transform_indices = #map}, {transform_indices = #map1}, {transform_indices = #map1}, {transform_indices = #map}, {transform_indices = #map}]} {
    %mul3A = arith.constant 2 : i32
    %mul3A_0 = arith.muli %arg1, %mul3A : i32
    %add3A = arith.addi %mul3A_0, %arg0 : i32
    %mul3A_1 = arith.constant 64 : i32
    %mul3A_2 = arith.muli %add3A, %mul3A_1 : i32
    "tpu.region"() ({
      %run_scoped3A = tpu.sem_alloc : memref<!tpu.dma_semaphore, #tpu.memory_space<semaphore_mem>>
      %dma_start3A_29 = tpu.memref_slice %arg3[%mul3A_2] : memref<2048xi32, #tpu.memory_space<hbm>> -> memref<64xi32, #tpu.memory_space<hbm>>
      %dma_start3A_30 = tpu.memref_slice %arg3[%mul3A_2] : memref<2048xi32, #tpu.memory_space<hbm>> -> memref<64xi32, #tpu.memory_space<hbm>>
      tpu.enqueue_dma source(%dma_start3A_30 : memref<64xi32, #tpu.memory_space<hbm>>) target(%arg7 : memref<64xi32, #tpu.memory_space<vmem>>) target_semaphore(%run_scoped3A : memref<!tpu.dma_semaphore, #tpu.memory_space<semaphore_mem>>)
      %dma_wait3A_31 = tpu.memref_slice %arg3[%mul3A_2] : memref<2048xi32, #tpu.memory_space<hbm>> -> memref<64xi32, #tpu.memory_space<hbm>>
      %dma_wait3A_32 = tpu.memref_slice %arg3[%mul3A_2] : memref<2048xi32, #tpu.memory_space<hbm>> -> memref<64xi32, #tpu.memory_space<hbm>>
      tpu.wait_dma2 semaphore(%run_scoped3A : memref<!tpu.dma_semaphore, #tpu.memory_space<semaphore_mem>>) src(%dma_wait3A_32 : memref<64xi32, #tpu.memory_space<hbm>>) dst(%arg7 : memref<64xi32, #tpu.memory_space<vmem>>)
      tpu.yield
    }) : () -> ()
    "tpu.region"() ({
      %run_scoped3A = tpu.sem_alloc : memref<!tpu.dma_semaphore, #tpu.memory_space<semaphore_mem>>
      %dma_start3A_29 = tpu.memref_slice %arg4[%mul3A_2] : memref<2048xi32, #tpu.memory_space<hbm>> -> memref<64xi32, #tpu.memory_space<hbm>>
      %dma_start3A_30 = tpu.memref_slice %arg4[%mul3A_2] : memref<2048xi32, #tpu.memory_space<hbm>> -> memref<64xi32, #tpu.memory_space<hbm>>
      tpu.enqueue_dma source(%dma_start3A_30 : memref<64xi32, #tpu.memory_space<hbm>>) target(%arg8 : memref<64xi32, #tpu.memory_space<vmem>>) target_semaphore(%run_scoped3A : memref<!tpu.dma_semaphore, #tpu.memory_space<semaphore_mem>>)
      %dma_wait3A_31 = tpu.memref_slice %arg4[%mul3A_2] : memref<2048xi32, #tpu.memory_space<hbm>> -> memref<64xi32, #tpu.memory_space<hbm>>
      %dma_wait3A_32 = tpu.memref_slice %arg4[%mul3A_2] : memref<2048xi32, #tpu.memory_space<hbm>> -> memref<64xi32, #tpu.memory_space<hbm>>
      tpu.wait_dma2 semaphore(%run_scoped3A : memref<!tpu.dma_semaphore, #tpu.memory_space<semaphore_mem>>) src(%dma_wait3A_32 : memref<64xi32, #tpu.memory_space<hbm>>) dst(%arg8 : memref<64xi32, #tpu.memory_space<vmem>>)
      tpu.yield
    }) : () -> ()
    %dma_start3A = arith.constant 0 : i32
    %dma_start3A_3 = arith.constant 0 : i32
    %dma_start3A_4 = tpu.memref_slice %arg2[%dma_start3A, %dma_start3A_3] : memref<12288x768xf32, #tpu.memory_space<hbm>> -> memref<12288x768xf32, #tpu.memory_space<hbm>>
    tpu.enqueue_indirect_dma source(%dma_start3A_4 : memref<12288x768xf32, #tpu.memory_space<hbm>>) target(%arg9 : memref<64x768xf32, #tpu.memory_space<vmem>>) offsets(%arg7 : memref<64xi32, #tpu.memory_space<vmem>>) semaphore(%arg11 : memref<!tpu.dma_semaphore, #tpu.memory_space<semaphore_mem>>)
    %dma_start3A_5 = arith.constant 0 : i32
    %dma_start3A_6 = arith.constant 0 : i32
    %dma_start3A_7 = tpu.memref_slice %arg2[%dma_start3A_5, %dma_start3A_6] : memref<12288x768xf32, #tpu.memory_space<hbm>> -> memref<12288x768xf32, #tpu.memory_space<hbm>>
    tpu.enqueue_indirect_dma source(%dma_start3A_7 : memref<12288x768xf32, #tpu.memory_space<hbm>>) target(%arg10 : memref<64x768xf32, #tpu.memory_space<vmem>>) offsets(%arg8 : memref<64xi32, #tpu.memory_space<vmem>>) semaphore(%arg11 : memref<!tpu.dma_semaphore, #tpu.memory_space<semaphore_mem>>)
    %dma_wait3A = arith.constant 0 : i32
    %dma_wait3A_8 = arith.constant 0 : i32
    %dma_wait3A_9 = tpu.memref_slice %arg2[%dma_wait3A, %dma_wait3A_8] : memref<12288x768xf32, #tpu.memory_space<hbm>> -> memref<12288x768xf32, #tpu.memory_space<hbm>>
    tpu.wait_indirect_dma semaphore(%arg11 : memref<!tpu.dma_semaphore, #tpu.memory_space<semaphore_mem>>) src(%dma_wait3A_9 : memref<12288x768xf32, #tpu.memory_space<hbm>>) dst(%arg9 : memref<64x768xf32, #tpu.memory_space<vmem>>)
    %dma_start3A_10 = arith.constant 0 : i32
    %dma_start3A_11 = tpu.memref_slice %arg5[%mul3A_2, %dma_start3A_10] : memref<2048x768xf32, #tpu.memory_space<hbm>> -> memref<64x768xf32, #tpu.memory_space<hbm>>
    %dma_start3A_12 = arith.constant 0 : i32
    %dma_start3A_13 = tpu.memref_slice %arg5[%mul3A_2, %dma_start3A_12] : memref<2048x768xf32, #tpu.memory_space<hbm>> -> memref<64x768xf32, #tpu.memory_space<hbm>>
    tpu.enqueue_dma source(%arg9 : memref<64x768xf32, #tpu.memory_space<vmem>>) target(%dma_start3A_13 : memref<64x768xf32, #tpu.memory_space<hbm>>) target_semaphore(%arg12 : memref<!tpu.dma_semaphore, #tpu.memory_space<semaphore_mem>>)
    %dma_wait3A_14 = arith.constant 0 : i32
    %dma_wait3A_15 = arith.constant 0 : i32
    %dma_wait3A_16 = tpu.memref_slice %arg2[%dma_wait3A_14, %dma_wait3A_15] : memref<12288x768xf32, #tpu.memory_space<hbm>> -> memref<12288x768xf32, #tpu.memory_space<hbm>>
    tpu.wait_indirect_dma semaphore(%arg11 : memref<!tpu.dma_semaphore, #tpu.memory_space<semaphore_mem>>) src(%dma_wait3A_16 : memref<12288x768xf32, #tpu.memory_space<hbm>>) dst(%arg10 : memref<64x768xf32, #tpu.memory_space<vmem>>)
    %dma_start3A_17 = arith.constant 0 : i32
    %dma_start3A_18 = tpu.memref_slice %arg6[%mul3A_2, %dma_start3A_17] : memref<2048x768xf32, #tpu.memory_space<hbm>> -> memref<64x768xf32, #tpu.memory_space<hbm>>
    %dma_start3A_19 = arith.constant 0 : i32
    %dma_start3A_20 = tpu.memref_slice %arg6[%mul3A_2, %dma_start3A_19] : memref<2048x768xf32, #tpu.memory_space<hbm>> -> memref<64x768xf32, #tpu.memory_space<hbm>>
    tpu.enqueue_dma source(%arg10 : memref<64x768xf32, #tpu.memory_space<vmem>>) target(%dma_start3A_20 : memref<64x768xf32, #tpu.memory_space<hbm>>) target_semaphore(%arg12 : memref<!tpu.dma_semaphore, #tpu.memory_space<semaphore_mem>>)
    %dma_wait3A_21 = arith.constant 0 : i32
    %dma_wait3A_22 = tpu.memref_slice %arg5[%mul3A_2, %dma_wait3A_21] : memref<2048x768xf32, #tpu.memory_space<hbm>> -> memref<64x768xf32, #tpu.memory_space<hbm>>
    %dma_wait3A_23 = arith.constant 0 : i32
    %dma_wait3A_24 = tpu.memref_slice %arg5[%mul3A_2, %dma_wait3A_23] : memref<2048x768xf32, #tpu.memory_space<hbm>> -> memref<64x768xf32, #tpu.memory_space<hbm>>
    tpu.wait_dma2 semaphore(%arg12 : memref<!tpu.dma_semaphore, #tpu.memory_space<semaphore_mem>>) src(%arg9 : memref<64x768xf32, #tpu.memory_space<vmem>>) dst(%dma_wait3A_24 : memref<64x768xf32, #tpu.memory_space<hbm>>)
    %dma_wait3A_25 = arith.constant 0 : i32
    %dma_wait3A_26 = tpu.memref_slice %arg6[%mul3A_2, %dma_wait3A_25] : memref<2048x768xf32, #tpu.memory_space<hbm>> -> memref<64x768xf32, #tpu.memory_space<hbm>>
    %dma_wait3A_27 = arith.constant 0 : i32
    %dma_wait3A_28 = tpu.memref_slice %arg6[%mul3A_2, %dma_wait3A_27] : memref<2048x768xf32, #tpu.memory_space<hbm>> -> memref<64x768xf32, #tpu.memory_space<hbm>>
    tpu.wait_dma2 semaphore(%arg12 : memref<!tpu.dma_semaphore, #tpu.memory_space<semaphore_mem>>) src(%arg10 : memref<64x768xf32, #tpu.memory_space<vmem>>) dst(%dma_wait3A_28 : memref<64x768xf32, #tpu.memory_space<hbm>>)
    return
  }
}

module attributes {stable_mosaic.version = 14 : i64} {
  func.func @_gate_body(%arg0: i32, %arg1: memref<256x768xf32, #tpu.memory_space<vmem>>, %arg2: memref<64x768xf32, #tpu.memory_space<vmem>>, %arg3: memref<256x1xi32, #tpu.memory_space<vmem>>, %arg4: memref<256x1xi32, #tpu.memory_space<vmem>>, %arg5: memref<256x1xf32, #tpu.memory_space<vmem>>, %arg6: memref<256x1xf32, #tpu.memory_space<vmem>>) attributes {dimension_semantics = [#tpu.dimension_semantics<arbitrary>], iteration_bounds = array<i64: 8>, scalar_prefetch = 0 : i64, scratch_operands = 0 : i64, tpu.core_type = #tpu.core_type<tc>, window_params = [{transform_indices = @transform_0, window_bounds = array<i64: 256, 768>}, {pipeline_mode = #tpu.pipeline_mode<synchronous>, transform_indices = @transform_1, window_bounds = array<i64: 64, 768>}, {transform_indices = @transform_2, window_bounds = array<i64: 256, 1>}, {transform_indices = @transform_3, window_bounds = array<i64: 256, 1>}, {transform_indices = @transform_4, window_bounds = array<i64: 256, 1>}, {transform_indices = @transform_5, window_bounds = array<i64: 256, 1>}]} {
    %get3A = arith.constant 0 : index
    %get3A_0 = arith.constant 0 : index
    %get3A_1 = vector.load %arg1[%get3A, %get3A_0] : memref<256x768xf32, #tpu.memory_space<vmem>>, vector<256x768xf32>
    %get3A_2 = arith.constant 0 : index
    %get3A_3 = arith.constant 0 : index
    %get3A_4 = vector.load %arg2[%get3A_2, %get3A_3] : memref<64x768xf32, #tpu.memory_space<vmem>>, vector<64x768xf32>
    %dot_general3A = arith.constant dense<0.000000e+00> : vector<256x64xf32>
    %dot_general3A_5 = tpu.matmul %get3A_1, %get3A_4, %dot_general3A {dimension_numbers = #tpu.dot_dimension_numbers<[1], [1], [0], [0], [0, 0, 1, 0], [], []>, transpose_lhs_hint = false} : vector<256x768xf32>, vector<64x768xf32>, vector<256x64xf32> -> vector<256x64xf32>
    %reduce_max3A = arith.constant dense<0xFF800000> : vector<256xf32>
    %reduce_max3A_6 = vector.multi_reduction <maximumf>, %dot_general3A_5, %reduce_max3A [1] : vector<256x64xf32> to vector<256xf32>
    %broadcast_in_dim3A = vector.shape_cast %reduce_max3A_6 : vector<256xf32> to vector<256x1xf32>
    %sub3A = vector.broadcast %broadcast_in_dim3A : vector<256x1xf32> to vector<256x64xf32>
    %sub3A_7 = arith.subf %dot_general3A_5, %sub3A : vector<256x64xf32>
    %exp3A = math.exp %sub3A_7 : vector<256x64xf32>
    %reduce_sum3A = arith.constant dense<0.000000e+00> : vector<256xf32>
    %reduce_sum3A_8 = vector.multi_reduction <add>, %exp3A, %reduce_sum3A [1] : vector<256x64xf32> to vector<256xf32>
    %broadcast_in_dim3A_9 = vector.shape_cast %reduce_sum3A_8 : vector<256xf32> to vector<256x1xf32>
    %div3A = vector.broadcast %broadcast_in_dim3A_9 : vector<256x1xf32> to vector<256x64xf32>
    %div3A_10 = arith.divf %exp3A, %div3A : vector<256x64xf32>
    %iota3A = tpu.iota {dimensions = array<i32: 1>} : vector<256x64xi32>
    %reduce_max3A_11 = arith.constant dense<0xFF800000> : vector<256xf32>
    %reduce_max3A_12 = vector.multi_reduction <maximumf>, %div3A_10, %reduce_max3A_11 [1] : vector<256x64xf32> to vector<256xf32>
    %broadcast_in_dim3A_13 = vector.shape_cast %reduce_max3A_12 : vector<256xf32> to vector<256x1xf32>
    %eq3A = vector.broadcast %broadcast_in_dim3A_13 : vector<256x1xf32> to vector<256x64xf32>
    %eq3A_14 = arith.cmpf oeq, %div3A_10, %eq3A : vector<256x64xf32>
    %jit3A = arith.constant 64 : i32
    %broadcast_in_dim3A_15 = vector.broadcast %jit3A : i32 to vector<256x64xi32>
    %select_n3A = arith.select %eq3A_14, %iota3A, %broadcast_in_dim3A_15 : vector<256x64xi1>, vector<256x64xi32>
    %reduce_min3A = arith.constant dense<2147483647> : vector<256xi32>
    %reduce_min3A_16 = vector.multi_reduction <minsi>, %select_n3A, %reduce_min3A [1] : vector<256x64xi32> to vector<256xi32>
    %broadcast_in_dim3A_17 = vector.shape_cast %reduce_min3A_16 : vector<256xi32> to vector<256x1xi32>
    %eq3A_18 = vector.broadcast %broadcast_in_dim3A_17 : vector<256x1xi32> to vector<256x64xi32>
    %eq3A_19 = arith.cmpi eq, %iota3A, %eq3A_18 : vector<256x64xi32>
    %jit3A_20 = arith.constant 0xFF800000 : f32
    %broadcast_in_dim3A_21 = vector.broadcast %jit3A_20 : f32 to vector<256x64xf32>
    %select_n3A_22 = arith.select %eq3A_19, %broadcast_in_dim3A_21, %div3A_10 : vector<256x64xi1>, vector<256x64xf32>
    %reduce_max3A_23 = arith.constant dense<0xFF800000> : vector<256xf32>
    %reduce_max3A_24 = vector.multi_reduction <maximumf>, %select_n3A_22, %reduce_max3A_23 [1] : vector<256x64xf32> to vector<256xf32>
    %broadcast_in_dim3A_25 = vector.shape_cast %reduce_max3A_24 : vector<256xf32> to vector<256x1xf32>
    %eq3A_26 = vector.broadcast %broadcast_in_dim3A_25 : vector<256x1xf32> to vector<256x64xf32>
    %eq3A_27 = arith.cmpf oeq, %select_n3A_22, %eq3A_26 : vector<256x64xf32>
    %jit3A_28 = arith.constant 64 : i32
    %broadcast_in_dim3A_29 = vector.broadcast %jit3A_28 : i32 to vector<256x64xi32>
    %select_n3A_30 = arith.select %eq3A_27, %iota3A, %broadcast_in_dim3A_29 : vector<256x64xi1>, vector<256x64xi32>
    %reduce_min3A_31 = arith.constant dense<2147483647> : vector<256xi32>
    %reduce_min3A_32 = vector.multi_reduction <minsi>, %select_n3A_30, %reduce_min3A_31 [1] : vector<256x64xi32> to vector<256xi32>
    %broadcast_in_dim3A_33 = vector.shape_cast %reduce_min3A_32 : vector<256xi32> to vector<256x1xi32>
    %add3A = arith.addf %broadcast_in_dim3A_13, %broadcast_in_dim3A_25 : vector<256x1xf32>
    %add3A_34 = arith.constant 9.99999968E-21 : f32
    %add3A_35 = vector.broadcast %add3A_34 : f32 to vector<256x1xf32>
    %add3A_36 = arith.addf %add3A, %add3A_35 : vector<256x1xf32>
    %swap3A = arith.constant 0 : index
    %swap3A_37 = arith.constant 0 : index
    %swap3A_38 = vector.load %arg3[%swap3A, %swap3A_37] : memref<256x1xi32, #tpu.memory_space<vmem>>, vector<256x1xi32>
    tpu.vector_store %arg3[%swap3A, %swap3A_37], %broadcast_in_dim3A_17 {strides = array<i32>} : memref<256x1xi32, #tpu.memory_space<vmem>>, vector<256x1xi32>,
    %swap3A_39 = arith.constant 0 : index
    %swap3A_40 = arith.constant 0 : index
    %swap3A_41 = vector.load %arg4[%swap3A_39, %swap3A_40] : memref<256x1xi32, #tpu.memory_space<vmem>>, vector<256x1xi32>
    tpu.vector_store %arg4[%swap3A_39, %swap3A_40], %broadcast_in_dim3A_33 {strides = array<i32>} : memref<256x1xi32, #tpu.memory_space<vmem>>, vector<256x1xi32>,
    %div3A_42 = arith.divf %broadcast_in_dim3A_13, %add3A_36 : vector<256x1xf32>
    %swap3A_43 = arith.constant 0 : index
    %swap3A_44 = arith.constant 0 : index
    %swap3A_45 = vector.load %arg5[%swap3A_43, %swap3A_44] : memref<256x1xf32, #tpu.memory_space<vmem>>, vector<256x1xf32>
    tpu.vector_store %arg5[%swap3A_43, %swap3A_44], %div3A_42 {strides = array<i32>} : memref<256x1xf32, #tpu.memory_space<vmem>>, vector<256x1xf32>,
    %div3A_46 = arith.divf %broadcast_in_dim3A_25, %add3A_36 : vector<256x1xf32>
    %swap3A_47 = arith.constant 0 : index
    %swap3A_48 = arith.constant 0 : index
    %swap3A_49 = vector.load %arg6[%swap3A_47, %swap3A_48] : memref<256x1xf32, #tpu.memory_space<vmem>>, vector<256x1xf32>
    tpu.vector_store %arg6[%swap3A_47, %swap3A_48], %div3A_46 {strides = array<i32>} : memref<256x1xf32, #tpu.memory_space<vmem>>, vector<256x1xf32>,
    return
  }
  func.func @transform_0(%arg0: i32) -> (i32, i32) {
    %c0_i32 = arith.constant 0 : i32
    %c0_i32_0 = arith.constant 0 : i32
    return %arg0, %c0_i32 : i32, i32
  }
  func.func @transform_1(%arg0: i32) -> (i32, i32) {
    %c0_i32 = arith.constant 0 : i32
    %c0_i32_0 = arith.constant 0 : i32
    %c0_i32_1 = arith.constant 0 : i32
    return %c0_i32, %c0_i32_0 : i32, i32
  }
  func.func @transform_2(%arg0: i32) -> (i32, i32) {
    %c0_i32 = arith.constant 0 : i32
    %c0_i32_0 = arith.constant 0 : i32
    return %arg0, %c0_i32 : i32, i32
  }
  func.func @transform_3(%arg0: i32) -> (i32, i32) {
    %c0_i32 = arith.constant 0 : i32
    %c0_i32_0 = arith.constant 0 : i32
    return %arg0, %c0_i32 : i32, i32
  }
  func.func @transform_4(%arg0: i32) -> (i32, i32) {
    %c0_i32 = arith.constant 0 : i32
    %c0_i32_0 = arith.constant 0 : i32
    return %arg0, %c0_i32 : i32, i32
  }
  func.func @transform_5(%arg0: i32) -> (i32, i32) {
    %c0_i32 = arith.constant 0 : i32
    %c0_i32_0 = arith.constant 0 : i32
    return %arg0, %c0_i32 : i32, i32
  }
}

module attributes {stable_mosaic.version = 14 : i64} {
  func.func @_route_body(%arg0: memref<16x128xi32, #tpu.memory_space<vmem>>, %arg1: memref<16x128xi32, #tpu.memory_space<vmem>>, %arg2: memref<32x128xi32, #tpu.memory_space<vmem>>, %arg3: memref<8x128xi32, #tpu.memory_space<vmem>>) attributes {dimension_semantics = [], scalar_prefetch = 0 : i64, scratch_operands = 0 : i64, tpu.core_type = #tpu.core_type<tc>} {
    %get3A = arith.constant 0 : index
    %get3A_0 = arith.constant 0 : index
    %get3A_1 = vector.load %arg0[%get3A, %get3A_0] : memref<16x128xi32, #tpu.memory_space<vmem>>, vector<16x128xi32>
    %get3A_2 = arith.constant 0 : index
    %get3A_3 = arith.constant 0 : index
    %get3A_4 = vector.load %arg1[%get3A_2, %get3A_3] : memref<16x128xi32, #tpu.memory_space<vmem>>, vector<16x128xi32>
    %concatenate3A = tpu.concatenate %get3A_1, %get3A_4 in 0 : vector<16x128xi32>, vector<16x128xi32> -> vector<32x128xi32>
    %iota3A = tpu.iota {dimensions = array<i32: 0>} : vector<64x32x128xi32>
    %broadcast_in_dim3A = vector.shape_cast %concatenate3A : vector<32x128xi32> to vector<1x32x128xi32>
    %eq3A = vector.broadcast %broadcast_in_dim3A : vector<1x32x128xi32> to vector<64x32x128xi32>
    %eq3A_5 = arith.cmpi eq, %eq3A, %iota3A : vector<64x32x128xi32>
    %convert_element_type3A = arith.extui %eq3A_5 : vector<64x32x128xi1> to vector<64x32x128xi32>
    %convert_element_type3A_6 = arith.sitofp %convert_element_type3A : vector<64x32x128xi32> to vector<64x32x128xf32>
    %convert_element_type3A_7 = arith.truncf %convert_element_type3A_6 : vector<64x32x128xf32> to vector<64x32x128xbf16>
    %iota3A_8 = tpu.iota {dimensions = array<i32: 0>} : vector<128x128xi32>
    %iota3A_9 = tpu.iota {dimensions = array<i32: 1>} : vector<128x128xi32>
    %lt3A = arith.cmpi slt, %iota3A_8, %iota3A_9 : vector<128x128xi32>
    %convert_element_type3A_10 = arith.extui %lt3A : vector<128x128xi1> to vector<128x128xi32>
    %convert_element_type3A_11 = arith.sitofp %convert_element_type3A_10 : vector<128x128xi32> to vector<128x128xf32>
    %convert_element_type3A_12 = arith.truncf %convert_element_type3A_11 : vector<128x128xf32> to vector<128x128xbf16>
    %broadcast_in_dim3A_13 = arith.constant 1.000000e+00 : bf16
    %broadcast_in_dim3A_14 = vector.broadcast %broadcast_in_dim3A_13 : bf16 to vector<128x128xbf16>
    %iota3A_15 = tpu.iota {dimensions = array<i32: 1>} : vector<64x32x32xi32>
    %iota3A_16 = tpu.iota {dimensions = array<i32: 2>} : vector<64x32x32xi32>
    %lt3A_17 = arith.cmpi slt, %iota3A_16, %iota3A_15 : vector<64x32x32xi32>
    %convert_element_type3A_18 = arith.extui %lt3A_17 : vector<64x32x32xi1> to vector<64x32x32xi32>
    %convert_element_type3A_19 = arith.sitofp %convert_element_type3A_18 : vector<64x32x32xi32> to vector<64x32x32xf32>
    %convert_element_type3A_20 = arith.truncf %convert_element_type3A_19 : vector<64x32x32xf32> to vector<64x32x32xbf16>
    %broadcast_in_dim3A_21 = arith.constant 1.000000e+00 : bf16
    %broadcast_in_dim3A_22 = vector.broadcast %broadcast_in_dim3A_21 : bf16 to vector<64x32x32xbf16>
    %dot_general3A = arith.constant dense<0.000000e+00> : vector<64x32x128xf32>
    %dot_general3A_23 = tpu.matmul %convert_element_type3A_7, %convert_element_type3A_12, %dot_general3A {dimension_numbers = #tpu.dot_dimension_numbers<[2], [0], [0, 1], [1], [0, 0, 0, 1, 1, 1], [], []>, transpose_lhs_hint = false} : vector<64x32x128xbf16>, vector<128x128xbf16>, vector<64x32x128xf32> -> vector<64x32x128xf32>
    %dot_general3A_24 = arith.constant dense<0.000000e+00> : vector<64x32x128xf32>
    %dot_general3A_25 = tpu.matmul %convert_element_type3A_7, %broadcast_in_dim3A_14, %dot_general3A_24 {dimension_numbers = #tpu.dot_dimension_numbers<[2], [0], [0, 1], [1], [0, 0, 0, 1, 1, 1], [], []>, transpose_lhs_hint = false} : vector<64x32x128xbf16>, vector<128x128xbf16>, vector<64x32x128xf32> -> vector<64x32x128xf32>
    %convert_element_type3A_26 = arith.truncf %dot_general3A_25 : vector<64x32x128xf32> to vector<64x32x128xbf16>
    %dot_general3A_27 = arith.constant dense<0.000000e+00> : vector<64x32x128xf32>
    %dot_general3A_28 = tpu.matmul %convert_element_type3A_20, %convert_element_type3A_26, %dot_general3A_27 {dimension_numbers = #tpu.dot_dimension_numbers<[2], [1], [1], [2], [0, 0, 0, 1, 1, 2], [0], [0]>, transpose_lhs_hint = false} : vector<64x32x32xbf16>, vector<64x32x128xbf16>, vector<64x32x128xf32> -> vector<64x32x128xf32>
    %dot_general3A_29 = arith.constant dense<0.000000e+00> : vector<64x32x128xf32>
    %dot_general3A_30 = tpu.matmul %broadcast_in_dim3A_22, %convert_element_type3A_26, %dot_general3A_29 {dimension_numbers = #tpu.dot_dimension_numbers<[2], [1], [1], [2], [0, 0, 0, 1, 1, 2], [0], [0]>, transpose_lhs_hint = false} : vector<64x32x32xbf16>, vector<64x32x128xbf16>, vector<64x32x128xf32> -> vector<64x32x128xf32>
    %add3A = arith.constant 1.270000e+02 : f32
    %add3A_31 = vector.broadcast %add3A : f32 to vector<64x32x128xf32>
    %add3A_32 = arith.addf %dot_general3A_30, %add3A_31 : vector<64x32x128xf32>
    %div3A = arith.constant 1.280000e+02 : f32
    %div3A_33 = vector.broadcast %div3A : f32 to vector<64x32x128xf32>
    %div3A_34 = arith.divf %add3A_32, %div3A_33 : vector<64x32x128xf32>
    %floor3A = math.floor %div3A_34 : vector<64x32x128xf32>
    %iota3A_35 = tpu.iota {dimensions = array<i32: 0>} : vector<64x64xi32>
    %iota3A_36 = tpu.iota {dimensions = array<i32: 1>} : vector<64x64xi32>
    %lt3A_37 = arith.cmpi slt, %iota3A_36, %iota3A_35 : vector<64x64xi32>
    %convert_element_type3A_38 = arith.extui %lt3A_37 : vector<64x64xi1> to vector<64x64xi32>
    %convert_element_type3A_39 = arith.sitofp %convert_element_type3A_38 : vector<64x64xi32> to vector<64x64xf32>
    %convert_element_type3A_40 = arith.truncf %convert_element_type3A_39 : vector<64x64xf32> to vector<64x64xbf16>
    %convert_element_type3A_41 = arith.truncf %floor3A : vector<64x32x128xf32> to vector<64x32x128xbf16>
    %dot_general3A_42 = arith.constant dense<0.000000e+00> : vector<64x32x128xf32>
    %dot_general3A_43 = tpu.matmul %convert_element_type3A_40, %convert_element_type3A_41, %dot_general3A_42 {dimension_numbers = #tpu.dot_dimension_numbers<[1], [0], [0], [1, 2], [0, 0, 1, 1, 1, 2], [], []>, transpose_lhs_hint = false} : vector<64x64xbf16>, vector<64x32x128xbf16>, vector<64x32x128xf32> -> vector<64x32x128xf32>
    %mul3A = arith.constant 1.280000e+02 : f32
    %mul3A_44 = vector.broadcast %mul3A : f32 to vector<64x32x128xf32>
    %mul3A_45 = arith.mulf %dot_general3A_43, %mul3A_44 : vector<64x32x128xf32>
    %add3A_46 = arith.addf %mul3A_45, %dot_general3A_23 : vector<64x32x128xf32>
    %add3A_47 = arith.addf %add3A_46, %dot_general3A_28 : vector<64x32x128xf32>
    %mul3A_48 = arith.mulf %convert_element_type3A_6, %add3A_47 : vector<64x32x128xf32>
    %reduce_sum3A = arith.constant dense<0.000000e+00> : vector<32x128xf32>
    %reduce_sum3A_49 = vector.multi_reduction <add>, %mul3A_48, %reduce_sum3A [0] : vector<64x32x128xf32> to vector<32x128xf32>
    %round3A = math.roundeven %reduce_sum3A_49 : vector<32x128xf32>
    %convert_element_type3A_50 = arith.fptosi %round3A : vector<32x128xf32> to vector<32x128xi32>
    %swap3A = arith.constant 0 : index
    %swap3A_51 = arith.constant 0 : index
    %swap3A_52 = vector.load %arg2[%swap3A, %swap3A_51] : memref<32x128xi32, #tpu.memory_space<vmem>>, vector<32x128xi32>
    tpu.vector_store %arg2[%swap3A, %swap3A_51], %convert_element_type3A_50 {strides = array<i32>} : memref<32x128xi32, #tpu.memory_space<vmem>>, vector<32x128xi32>,
    %add3A_53 = arith.addf %dot_general3A_43, %floor3A : vector<64x32x128xf32>
    %iota3A_54 = tpu.iota {dimensions = array<i32: 2>} : vector<64x32x128xi32>
    %convert_element_type3A_55 = arith.sitofp %iota3A_54 : vector<64x32x128xi32> to vector<64x32x128xf32>
    %le3A = arith.cmpf ole, %add3A_53, %convert_element_type3A_55 : vector<64x32x128xf32>
    %convert_element_type3A_56 = arith.extui %le3A : vector<64x32x128xi1> to vector<64x32x128xi32>
    %convert_element_type3A_57 = arith.sitofp %convert_element_type3A_56 : vector<64x32x128xi32> to vector<64x32x128xf32>
    %reduce_sum3A_58 = arith.constant dense<0.000000e+00> : vector<32x128xf32>
    %reduce_sum3A_59 = vector.multi_reduction <add>, %convert_element_type3A_57, %reduce_sum3A_58 [0] : vector<64x32x128xf32> to vector<32x128xf32>
    %min3A = arith.constant 6.300000e+01 : f32
    %min3A_60 = vector.broadcast %min3A : f32 to vector<32x128xf32>
    %min3A_61 = arith.minimumf %reduce_sum3A_59, %min3A_60 : vector<32x128xf32>
    %convert_element_type3A_62 = arith.fptosi %min3A_61 : vector<32x128xf32> to vector<32x128xi32>
    %slice3A = vector.extract_strided_slice %convert_element_type3A_62 {offsets = [0, 0], sizes = [8, 128], strides = [1, 1]} : vector<32x128xi32> to vector<8x128xi32>
    %swap3A_63 = arith.constant 0 : index
    %swap3A_64 = arith.constant 0 : index
    %swap3A_65 = vector.load %arg3[%swap3A_63, %swap3A_64] : memref<8x128xi32, #tpu.memory_space<vmem>>, vector<8x128xi32>
    tpu.vector_store %arg3[%swap3A_63, %swap3A_64], %slice3A {strides = array<i32>} : memref<8x128xi32, #tpu.memory_space<vmem>>, vector<8x128xi32>,
    return
  }
}

module attributes {stable_mosaic.version = 14 : i64} {
  func.func @_expert_body(%arg0: i32, %arg1: memref<128xi32, #tpu.memory_space<smem>>, %arg2: memref<128x768xbf16, #tpu.memory_space<vmem>>, %arg3: memref<1x256x768xf32, #tpu.memory_space<vmem>>, %arg4: memref<1x256x768xf32, #tpu.memory_space<vmem>>, %arg5: memref<1x768x256xf32, #tpu.memory_space<vmem>>, %arg6: memref<128x768xf32, #tpu.memory_space<vmem>>) attributes {dimension_semantics = [#tpu.dimension_semantics<arbitrary>], iteration_bounds = array<i64: 96>, scalar_prefetch = 1 : i64, scratch_operands = 0 : i64, tpu.core_type = #tpu.core_type<tc>, window_params = [{transform_indices = @transform_0, window_bounds = array<i64: 128, 768>}, {transform_indices = @transform_1, window_bounds = array<i64: 1, 256, 768>}, {transform_indices = @transform_2, window_bounds = array<i64: 1, 256, 768>}, {transform_indices = @transform_3, window_bounds = array<i64: 1, 768, 256>}, {transform_indices = @transform_4, window_bounds = array<i64: 128, 768>}]} {
    %get3A = arith.constant 0 : index
    %get3A_0 = arith.constant 0 : index
    %get3A_1 = vector.load %arg2[%get3A, %get3A_0] : memref<128x768xbf16, #tpu.memory_space<vmem>>, vector<128x768xbf16>
    %get3A_2 = arith.constant 0 : index
    %get3A_3 = arith.constant 0 : index
    %get3A_4 = arith.constant 0 : index
    %get3A_5 = vector.load %arg3[%get3A_2, %get3A_3, %get3A_4] : memref<1x256x768xf32, #tpu.memory_space<vmem>>, vector<1x256x768xf32>
    %get3A_6 = vector.shape_cast %get3A_5 : vector<1x256x768xf32> to vector<256x768xf32>
    %convert_element_type3A = arith.truncf %get3A_6 : vector<256x768xf32> to vector<256x768xbf16>
    %get3A_7 = arith.constant 0 : index
    %get3A_8 = arith.constant 0 : index
    %get3A_9 = arith.constant 0 : index
    %get3A_10 = vector.load %arg4[%get3A_7, %get3A_8, %get3A_9] : memref<1x256x768xf32, #tpu.memory_space<vmem>>, vector<1x256x768xf32>
    %get3A_11 = vector.shape_cast %get3A_10 : vector<1x256x768xf32> to vector<256x768xf32>
    %convert_element_type3A_12 = arith.truncf %get3A_11 : vector<256x768xf32> to vector<256x768xbf16>
    %get3A_13 = arith.constant 0 : index
    %get3A_14 = arith.constant 0 : index
    %get3A_15 = arith.constant 0 : index
    %get3A_16 = vector.load %arg5[%get3A_13, %get3A_14, %get3A_15] : memref<1x768x256xf32, #tpu.memory_space<vmem>>, vector<1x768x256xf32>
    %get3A_17 = vector.shape_cast %get3A_16 : vector<1x768x256xf32> to vector<768x256xf32>
    %convert_element_type3A_18 = arith.truncf %get3A_17 : vector<768x256xf32> to vector<768x256xbf16>
    %dot_general3A = arith.constant dense<0.000000e+00> : vector<128x256xf32>
    %dot_general3A_19 = tpu.matmul %get3A_1, %convert_element_type3A, %dot_general3A {dimension_numbers = #tpu.dot_dimension_numbers<[1], [1], [0], [0], [0, 0, 1, 0], [], []>, transpose_lhs_hint = false} : vector<128x768xbf16>, vector<256x768xbf16>, vector<128x256xf32> -> vector<128x256xf32>
    %dot_general3A_20 = arith.constant dense<0.000000e+00> : vector<128x256xf32>
    %dot_general3A_21 = tpu.matmul %get3A_1, %convert_element_type3A_12, %dot_general3A_20 {dimension_numbers = #tpu.dot_dimension_numbers<[1], [1], [0], [0], [0, 0, 1, 0], [], []>, transpose_lhs_hint = false} : vector<128x768xbf16>, vector<256x768xbf16>, vector<128x256xf32> -> vector<128x256xf32>
    %logistic3A = arith.negf %dot_general3A_19 : vector<128x256xf32>
    %logistic3A_22 = math.exp %logistic3A : vector<128x256xf32>
    %logistic3A_23 = arith.constant 1.000000e+00 : f32
    %logistic3A_24 = vector.broadcast %logistic3A_23 : f32 to vector<128x256xf32>
    %logistic3A_25 = arith.addf %logistic3A_24, %logistic3A_22 : vector<128x256xf32>
    %logistic3A_26 = arith.divf %logistic3A_24, %logistic3A_25 : vector<128x256xf32>
    %mul3A = arith.mulf %dot_general3A_19, %logistic3A_26 : vector<128x256xf32>
    %mul3A_27 = arith.mulf %mul3A, %dot_general3A_21 : vector<128x256xf32>
    %convert_element_type3A_28 = arith.truncf %mul3A_27 : vector<128x256xf32> to vector<128x256xbf16>
    %dot_general3A_29 = arith.constant dense<0.000000e+00> : vector<128x768xf32>
    %dot_general3A_30 = tpu.matmul %convert_element_type3A_28, %convert_element_type3A_18, %dot_general3A_29 {dimension_numbers = #tpu.dot_dimension_numbers<[1], [1], [0], [0], [0, 0, 1, 0], [], []>, transpose_lhs_hint = false} : vector<128x256xbf16>, vector<768x256xbf16>, vector<128x768xf32> -> vector<128x768xf32>
    %swap3A = arith.constant 0 : index
    %swap3A_31 = arith.constant 0 : index
    %swap3A_32 = vector.load %arg6[%swap3A, %swap3A_31] : memref<128x768xf32, #tpu.memory_space<vmem>>, vector<128x768xf32>
    tpu.vector_store %arg6[%swap3A, %swap3A_31], %dot_general3A_30 {strides = array<i32>} : memref<128x768xf32, #tpu.memory_space<vmem>>, vector<128x768xf32>,
    return
  }
  func.func @transform_0(%arg0: i32, %arg1: memref<128xi32, #tpu.memory_space<smem>>) -> (i32, i32) {
    %c0_i32 = arith.constant 0 : i32
    %c0_i32_0 = arith.constant 0 : i32
    return %arg0, %c0_i32 : i32, i32
  }
  func.func @transform_1(%arg0: i32, %arg1: memref<128xi32, #tpu.memory_space<smem>>) -> (i32, i32, i32) {
    %get3A = arith.index_cast %arg0 : i32 to index
    %get3A_0 = memref.load %arg1[%get3A] : memref<128xi32, #tpu.memory_space<smem>>
    %c0_i32 = arith.constant 0 : i32
    %c0_i32_1 = arith.constant 0 : i32
    %c0_i32_2 = arith.constant 0 : i32
    return %get3A_0, %c0_i32, %c0_i32_1 : i32, i32, i32
  }
  func.func @transform_2(%arg0: i32, %arg1: memref<128xi32, #tpu.memory_space<smem>>) -> (i32, i32, i32) {
    %get3A = arith.index_cast %arg0 : i32 to index
    %get3A_0 = memref.load %arg1[%get3A] : memref<128xi32, #tpu.memory_space<smem>>
    %c0_i32 = arith.constant 0 : i32
    %c0_i32_1 = arith.constant 0 : i32
    %c0_i32_2 = arith.constant 0 : i32
    return %get3A_0, %c0_i32, %c0_i32_1 : i32, i32, i32
  }
  func.func @transform_3(%arg0: i32, %arg1: memref<128xi32, #tpu.memory_space<smem>>) -> (i32, i32, i32) {
    %get3A = arith.index_cast %arg0 : i32 to index
    %get3A_0 = memref.load %arg1[%get3A] : memref<128xi32, #tpu.memory_space<smem>>
    %c0_i32 = arith.constant 0 : i32
    %c0_i32_1 = arith.constant 0 : i32
    %c0_i32_2 = arith.constant 0 : i32
    return %get3A_0, %c0_i32, %c0_i32_1 : i32, i32, i32
  }
  func.func @transform_4(%arg0: i32, %arg1: memref<128xi32, #tpu.memory_space<smem>>) -> (i32, i32) {
    %c0_i32 = arith.constant 0 : i32
    %c0_i32_0 = arith.constant 0 : i32
    return %arg0, %c0_i32 : i32, i32
  }
}

module attributes {stable_mosaic.version = 14 : i64} {
  func.func @_shared_body(%arg0: i32, %arg1: memref<256x768xf32, #tpu.memory_space<vmem>>, %arg2: memref<512x768xf32, #tpu.memory_space<vmem>>, %arg3: memref<512x768xf32, #tpu.memory_space<vmem>>, %arg4: memref<768x512xf32, #tpu.memory_space<vmem>>, %arg5: memref<256x768xf32, #tpu.memory_space<vmem>>) attributes {dimension_semantics = [#tpu.dimension_semantics<arbitrary>], iteration_bounds = array<i64: 8>, scalar_prefetch = 0 : i64, scratch_operands = 0 : i64, tpu.core_type = #tpu.core_type<tc>, window_params = [{transform_indices = @transform_0, window_bounds = array<i64: 256, 768>}, {pipeline_mode = #tpu.pipeline_mode<synchronous>, transform_indices = @transform_1, window_bounds = array<i64: 512, 768>}, {pipeline_mode = #tpu.pipeline_mode<synchronous>, transform_indices = @transform_2, window_bounds = array<i64: 512, 768>}, {pipeline_mode = #tpu.pipeline_mode<synchronous>, transform_indices = @transform_3, window_bounds = array<i64: 768, 512>}, {transform_indices = @transform_4, window_bounds = array<i64: 256, 768>}]} {
    %get3A = arith.constant 0 : index
    %get3A_0 = arith.constant 0 : index
    %get3A_1 = vector.load %arg1[%get3A, %get3A_0] : memref<256x768xf32, #tpu.memory_space<vmem>>, vector<256x768xf32>
    %convert_element_type3A = arith.truncf %get3A_1 : vector<256x768xf32> to vector<256x768xbf16>
    %get3A_2 = arith.constant 0 : index
    %get3A_3 = arith.constant 0 : index
    %get3A_4 = vector.load %arg2[%get3A_2, %get3A_3] : memref<512x768xf32, #tpu.memory_space<vmem>>, vector<512x768xf32>
    %convert_element_type3A_5 = arith.truncf %get3A_4 : vector<512x768xf32> to vector<512x768xbf16>
    %get3A_6 = arith.constant 0 : index
    %get3A_7 = arith.constant 0 : index
    %get3A_8 = vector.load %arg3[%get3A_6, %get3A_7] : memref<512x768xf32, #tpu.memory_space<vmem>>, vector<512x768xf32>
    %convert_element_type3A_9 = arith.truncf %get3A_8 : vector<512x768xf32> to vector<512x768xbf16>
    %get3A_10 = arith.constant 0 : index
    %get3A_11 = arith.constant 0 : index
    %get3A_12 = vector.load %arg4[%get3A_10, %get3A_11] : memref<768x512xf32, #tpu.memory_space<vmem>>, vector<768x512xf32>
    %convert_element_type3A_13 = arith.truncf %get3A_12 : vector<768x512xf32> to vector<768x512xbf16>
    %dot_general3A = arith.constant dense<0.000000e+00> : vector<256x512xf32>
    %dot_general3A_14 = tpu.matmul %convert_element_type3A, %convert_element_type3A_5, %dot_general3A {dimension_numbers = #tpu.dot_dimension_numbers<[1], [1], [0], [0], [0, 0, 1, 0], [], []>, transpose_lhs_hint = false} : vector<256x768xbf16>, vector<512x768xbf16>, vector<256x512xf32> -> vector<256x512xf32>
    %dot_general3A_15 = arith.constant dense<0.000000e+00> : vector<256x512xf32>
    %dot_general3A_16 = tpu.matmul %convert_element_type3A, %convert_element_type3A_9, %dot_general3A_15 {dimension_numbers = #tpu.dot_dimension_numbers<[1], [1], [0], [0], [0, 0, 1, 0], [], []>, transpose_lhs_hint = false} : vector<256x768xbf16>, vector<512x768xbf16>, vector<256x512xf32> -> vector<256x512xf32>
    %logistic3A = arith.negf %dot_general3A_14 : vector<256x512xf32>
    %logistic3A_17 = math.exp %logistic3A : vector<256x512xf32>
    %logistic3A_18 = arith.constant 1.000000e+00 : f32
    %logistic3A_19 = vector.broadcast %logistic3A_18 : f32 to vector<256x512xf32>
    %logistic3A_20 = arith.addf %logistic3A_19, %logistic3A_17 : vector<256x512xf32>
    %logistic3A_21 = arith.divf %logistic3A_19, %logistic3A_20 : vector<256x512xf32>
    %mul3A = arith.mulf %dot_general3A_14, %logistic3A_21 : vector<256x512xf32>
    %mul3A_22 = arith.mulf %mul3A, %dot_general3A_16 : vector<256x512xf32>
    %convert_element_type3A_23 = arith.truncf %mul3A_22 : vector<256x512xf32> to vector<256x512xbf16>
    %dot_general3A_24 = arith.constant dense<0.000000e+00> : vector<256x768xf32>
    %dot_general3A_25 = tpu.matmul %convert_element_type3A_23, %convert_element_type3A_13, %dot_general3A_24 {dimension_numbers = #tpu.dot_dimension_numbers<[1], [1], [0], [0], [0, 0, 1, 0], [], []>, transpose_lhs_hint = false} : vector<256x512xbf16>, vector<768x512xbf16>, vector<256x768xf32> -> vector<256x768xf32>
    %swap3A = arith.constant 0 : index
    %swap3A_26 = arith.constant 0 : index
    %swap3A_27 = vector.load %arg5[%swap3A, %swap3A_26] : memref<256x768xf32, #tpu.memory_space<vmem>>, vector<256x768xf32>
    tpu.vector_store %arg5[%swap3A, %swap3A_26], %dot_general3A_25 {strides = array<i32>} : memref<256x768xf32, #tpu.memory_space<vmem>>, vector<256x768xf32>,
    return
  }
  func.func @transform_0(%arg0: i32) -> (i32, i32) {
    %c0_i32 = arith.constant 0 : i32
    %c0_i32_0 = arith.constant 0 : i32
    return %arg0, %c0_i32 : i32, i32
  }
  func.func @transform_1(%arg0: i32) -> (i32, i32) {
    %c0_i32 = arith.constant 0 : i32
    %c0_i32_0 = arith.constant 0 : i32
    %c0_i32_1 = arith.constant 0 : i32
    return %c0_i32, %c0_i32_0 : i32, i32
  }
  func.func @transform_2(%arg0: i32) -> (i32, i32) {
    %c0_i32 = arith.constant 0 : i32
    %c0_i32_0 = arith.constant 0 : i32
    %c0_i32_1 = arith.constant 0 : i32
    return %c0_i32, %c0_i32_0 : i32, i32
  }
  func.func @transform_3(%arg0: i32) -> (i32, i32) {
    %c0_i32 = arith.constant 0 : i32
    %c0_i32_0 = arith.constant 0 : i32
    %c0_i32_1 = arith.constant 0 : i32
    return %c0_i32, %c0_i32_0 : i32, i32
  }
  func.func @transform_4(%arg0: i32) -> (i32, i32) {
    %c0_i32 = arith.constant 0 : i32
    %c0_i32_0 = arith.constant 0 : i32
    return %arg0, %c0_i32 : i32, i32
  }
}

module attributes {stable_mosaic.version = 14 : i64} {
  func.func @_mix_body(%arg0: i32, %arg1: memref<256x768xf32, #tpu.memory_space<vmem>>, %arg2: memref<256x768xf32, #tpu.memory_space<vmem>>, %arg3: memref<256x768xf32, #tpu.memory_space<vmem>>, %arg4: memref<256x1xf32, #tpu.memory_space<vmem>>, %arg5: memref<256x1xf32, #tpu.memory_space<vmem>>, %arg6: memref<256x768xf32, #tpu.memory_space<vmem>>) attributes {dimension_semantics = [#tpu.dimension_semantics<arbitrary>], iteration_bounds = array<i64: 8>, scalar_prefetch = 0 : i64, scratch_operands = 0 : i64, tpu.core_type = #tpu.core_type<tc>, window_params = [{transform_indices = @transform_0, window_bounds = array<i64: 256, 768>}, {transform_indices = @transform_1, window_bounds = array<i64: 256, 768>}, {transform_indices = @transform_2, window_bounds = array<i64: 256, 768>}, {transform_indices = @transform_3, window_bounds = array<i64: 256, 1>}, {transform_indices = @transform_4, window_bounds = array<i64: 256, 1>}, {transform_indices = @transform_5, window_bounds = array<i64: 256, 768>}]} {
    %get3A = arith.constant 0 : index
    %get3A_0 = arith.constant 0 : index
    %get3A_1 = vector.load %arg1[%get3A, %get3A_0] : memref<256x768xf32, #tpu.memory_space<vmem>>, vector<256x768xf32>
    %get3A_2 = arith.constant 0 : index
    %get3A_3 = arith.constant 0 : index
    %get3A_4 = vector.load %arg4[%get3A_2, %get3A_3] : memref<256x1xf32, #tpu.memory_space<vmem>>, vector<256x1xf32>
    %get3A_5 = arith.constant 0 : index
    %get3A_6 = arith.constant 0 : index
    %get3A_7 = vector.load %arg2[%get3A_5, %get3A_6] : memref<256x768xf32, #tpu.memory_space<vmem>>, vector<256x768xf32>
    %mul3A = vector.broadcast %get3A_4 : vector<256x1xf32> to vector<256x768xf32>
    %mul3A_8 = arith.mulf %mul3A, %get3A_7 : vector<256x768xf32>
    %add3A = arith.addf %get3A_1, %mul3A_8 : vector<256x768xf32>
    %get3A_9 = arith.constant 0 : index
    %get3A_10 = arith.constant 0 : index
    %get3A_11 = vector.load %arg5[%get3A_9, %get3A_10] : memref<256x1xf32, #tpu.memory_space<vmem>>, vector<256x1xf32>
    %get3A_12 = arith.constant 0 : index
    %get3A_13 = arith.constant 0 : index
    %get3A_14 = vector.load %arg3[%get3A_12, %get3A_13] : memref<256x768xf32, #tpu.memory_space<vmem>>, vector<256x768xf32>
    %mul3A_15 = vector.broadcast %get3A_11 : vector<256x1xf32> to vector<256x768xf32>
    %mul3A_16 = arith.mulf %mul3A_15, %get3A_14 : vector<256x768xf32>
    %add3A_17 = arith.addf %add3A, %mul3A_16 : vector<256x768xf32>
    %swap3A = arith.constant 0 : index
    %swap3A_18 = arith.constant 0 : index
    %swap3A_19 = vector.load %arg6[%swap3A, %swap3A_18] : memref<256x768xf32, #tpu.memory_space<vmem>>, vector<256x768xf32>
    tpu.vector_store %arg6[%swap3A, %swap3A_18], %add3A_17 {strides = array<i32>} : memref<256x768xf32, #tpu.memory_space<vmem>>, vector<256x768xf32>,
    return
  }
  func.func @transform_0(%arg0: i32) -> (i32, i32) {
    %c0_i32 = arith.constant 0 : i32
    %c0_i32_0 = arith.constant 0 : i32
    return %arg0, %c0_i32 : i32, i32
  }
  func.func @transform_1(%arg0: i32) -> (i32, i32) {
    %c0_i32 = arith.constant 0 : i32
    %c0_i32_0 = arith.constant 0 : i32
    return %arg0, %c0_i32 : i32, i32
  }
  func.func @transform_2(%arg0: i32) -> (i32, i32) {
    %c0_i32 = arith.constant 0 : i32
    %c0_i32_0 = arith.constant 0 : i32
    return %arg0, %c0_i32 : i32, i32
  }
  func.func @transform_3(%arg0: i32) -> (i32, i32) {
    %c0_i32 = arith.constant 0 : i32
    %c0_i32_0 = arith.constant 0 : i32
    return %arg0, %c0_i32 : i32, i32
  }
  func.func @transform_4(%arg0: i32) -> (i32, i32) {
    %c0_i32 = arith.constant 0 : i32
    %c0_i32_0 = arith.constant 0 : i32
    return %arg0, %c0_i32 : i32, i32
  }
  func.func @transform_5(%arg0: i32) -> (i32, i32) {
    %c0_i32 = arith.constant 0 : i32
    %c0_i32_0 = arith.constant 0 : i32
    return %arg0, %c0_i32 : i32, i32
  }
}

</mosaic_0001>

<sc_bundles>
// kernel: kernel.12.cloned.1.call-start
scs
__scs_entry_jumppad:
0x0: {  	(pc) =	sbr.rel $0x88, $3  }
0x1: {  	(tag) =	ssettag $0x0;
	lr =	simm.s32 $0x1  }
0x2: {  	[smem:$0x3F99] =	sst lr;
	_ =	strace $0xD0000000  }
0x3: {  	_ = 	snop  }
0x4: {  	_ = 	snop  }
0x5: {  	_ = 	snop  }
0x6: {  	_ = 	snop  }
0x7: {  	_ = 	snop  }
__scs_overlays_trampoline_lowered:
0x8: {  	[smem:$0x3FA8] =	sst s0  }
0x9: {  	[smem:$0x3FA9] =	sst s1  }
0xa: {  	[smem:$0x3FAA] =	sst s2  }
0xb: {  	[smem:$0x3FAB] =	sst s3  }
0xc: {  	[smem:$0x3FAC] =	sst s4  }
0xd: {  	[smem:$0x3FAD] =	sst s5  }
0xe: {  	[smem:$0x3FAE] =	sst s6  }
0xf: {  	[smem:$0x3FAF] =	sst s7  }
0x10: {  	[smem:$0x3FB0] =	sst s8  }
0x11: {  	[smem:$0x3FB1] =	sst s9;
	s0 =	simm.s32 @!p0 $0x0  }
0x12: {  	s1 =	sld [smem:$0x3F97];
	s0 =	simm.s32 @p0 $0x1  }
0x13: {  	[smem:$0x3FB2] =	sst s0;
	s0 =	simm.s32 @!p1 $0x0  }
0x14: {  	s2 =	sld [smem:$0x3F96];
	s0 =	simm.s32 @p1 $0x1  }
0x15: {  	[smem:$0x3FB3] =	sst s0;
	s0 =	simm.s32 @!p2 $0x0  }
0x16: {  	s3 =	sld [smem:$0x3FDB];
	s0 =	simm.s32 @p2 $0x1  }
0x17: {  	s4 =	simm.s32 $0x1BF5;
	[smem:$0x3FB5] =	sst s0  }
0x18: {  	s0 =	sld [smem:$0x3F98];
	_ =	swait.ge [sflag:s4], $0x0  }
0x19: {  	s7 =	sld [smem:$0x3F99]  }
0x1a: {  	s8 =	sadd.s32 $0xFFFFE003, lr  }
0x1b: {  	s9 =	sadd.s32 $0xFFFFFEF7, lr;
	s5 =	simm.s32 $0xFFFFFFFF;
	p2 =	slt.u32 s8, $0xFFFFF086  }
0x1c: {  	p1 =	slt.u32 s9, $0xF7A;
	s5 =	simm.s32 @!p2 $0x0  }
0x1d: {  	s5 =	simm.s32 @p1 $0x1;
	p0 =	seq.s32 s7, s2  }
0x1e: {  	s7 =	smul.u32 @!p0 $0xF7A, s2;
	p2 =	seq.s32 @!p0 s5, $0x0  }
0x1f: {  	s9 =	smul.u32 $0xF7A, s1;
	s8 =	simm.s32 @!p0 $0x1BF5;
	p2 =	por !p2, p0  }
0x20: {  	[sflag:s8] =	ssyncset.s32 @!p0 $0xFFFFF086;
	s6 =	sadd.s32 @!p0 s3, s7;
	s7 =	simm.s32 @!p0 $0x108  }
0x21: {  	s3 =	sadd.s32 s3, s9;
	s6 =	sadd.s32 @!p0 $0x88, s6;
	s7 =	simm.s32 @p2 $0x1082  }
0x22: {  	[simem:s7], [sflag:s8] =	dma.local @!p0 [hbm:s6], $0xF7A  }
0x23: {  	s9 =	sor.u32 $0xD0000000, s2;
	s6 =	simm.s32 $0x108;
	_ =	swait.ge @!p0 [sflag:s8], $0x0  }
0x24: {  	s3 =	sadd.s32 $0x88, s3;
	s6 =	simm.s32 @!p1 $0x1082;
	[sflag:s4] =	ssyncset.s32 $0xFFFFF086  }
0x25: {  	[simem:s6], [sflag:s4] =	dma.local [hbm:s3], $0xF7A  }
0x26: {  	[smem:$0x3F99] =	sst s1;
	(tag) =	ssettag s2;
	_ =	strace s9  }
0x27: {  	s1 =	sld [smem:$0x3FA9]  }
0x28: {  	s2 =	sld [smem:$0x3FAA]  }
0x29: {  	s4 =	sld [smem:$0x3FAC]  }
0x2a: {  	p0 =	seq.s32 s5, $0x0;
	s5 =	sld [smem:$0x3FAD]  }
0x2b: {  	s6 =	sld [smem:$0x3FAE]  }
0x2c: {  	s7 =	sld [smem:$0x3FAF]  }
0x2d: {  	s3 =	simm.s32 $0x108;
	s8 =	sld [smem:$0x3FB0]  }
0x2e: {  	s3 =	simm.s32 @!p0 $0x1082;
	s9 =	sld [smem:$0x3FB1]  }
0x2f: {  	lr =	sadd.s32 s0, s3;
	s0 =	sld [smem:$0x3FA8]  }
0x30: {  	s3 =	sld [smem:$0x3FAB]  }
0x31: {  	[smem:$0x3FB4] =	sst s10  }
0x32: {  	s10 =	sld [smem:$0x3FB2];
	_ =	sdelay $0x3  }
0x33: {  	p0 =	seq.s32 s10, $0x1;
	s10 =	sld [smem:$0x3FB4];
	_ =	sdelay $0x3  }
0x34: {  	[smem:$0x3FB4] =	sst s10  }
0x35: {  	s10 =	sld [smem:$0x3FB3];
	_ =	sdelay $0x3  }
0x36: {  	p1 =	seq.s32 s10, $0x1;
	s10 =	sld [smem:$0x3FB4];
	_ =	sdelay $0x3  }
0x37: {  	[smem:$0x3FB4] =	sst s10  }
0x38: {  	s10 =	sld [smem:$0x3FB5]  }
0x39: {  	_ = 	snop;
	(pc) =	sbr.ind lr, $3  }
0x3a: {  	_ = 	snop  }
0x3b: {  	_ = 	snop  }
0x3c: {  	p2 =	seq.s32 s10, $0x1;
	s10 =	sld [smem:$0x3FB4]  }
0x3d: {  	_ =	shalt  }
0x3e: {  	_ =	shalt  }
0x3f: {  	_ =	shalt  }
0x40: {  	_ =	shalt  }
0x41: {  	_ =	shalt  }
0x42: {  	_ =	shalt  }
0x43: {  	_ =	shalt  }
0x44: {  	_ =	shalt  }
0x45: {  	_ =	shalt  }
0x46: {  	_ =	shalt  }
0x47: {  	_ =	shalt  }
0x48: {  	_ =	shalt  }
0x49: {  	_ =	shalt  }
0x4a: {  	_ =	shalt  }
0x4b: {  	_ =	shalt  }
0x4c: {  	_ =	shalt  }
0x4d: {  	_ =	shalt  }
0x4e: {  	_ =	shalt  }
0x4f: {  	_ =	shalt  }
0x50: {  	_ =	shalt  }
0x51: {  	_ =	shalt  }
0x52: {  	_ =	shalt  }
0x53: {  	_ =	shalt  }
0x54: {  	_ =	shalt  }
0x55: {  	_ =	shalt  }
0x56: {  	_ =	shalt  }
0x57: {  	_ =	shalt  }
0x58: {  	_ =	shalt  }
0x59: {  	_ =	shalt  }
0x5a: {  	_ =	shalt  }
0x5b: {  	_ =	shalt  }
0x5c: {  	_ =	shalt  }
0x5d: {  	_ =	shalt  }
0x5e: {  	_ =	shalt  }
0x5f: {  	_ =	shalt  }
0x60: {  	_ =	shalt  }
0x61: {  	_ =	shalt  }
0x62: {  	_ =	shalt  }
0x63: {  	_ =	shalt  }
0x64: {  	_ =	shalt  }
0x65: {  	_ =	shalt  }
0x66: {  	_ =	shalt  }
0x67: {  	_ =	shalt  }
0x68: {  	_ =	shalt  }
0x69: {  	_ =	shalt  }
0x6a: {  	_ =	shalt  }
0x6b: {  	_ =	shalt  }
0x6c: {  	_ =	shalt  }
0x6d: {  	_ =	shalt  }
0x6e: {  	_ =	shalt  }
0x6f: {  	_ =	shalt  }
0x70: {  	_ =	shalt  }
0x71: {  	_ =	shalt  }
0x72: {  	_ =	shalt  }
0x73: {  	_ =	shalt  }
0x74: {  	_ =	shalt  }
0x75: {  	_ =	shalt  }
0x76: {  	_ =	shalt  }
0x77: {  	_ =	shalt  }
0x78: {  	_ =	shalt  }
0x79: {  	_ =	shalt  }
0x7a: {  	_ =	shalt  }
0x7b: {  	_ =	shalt  }
0x7c: {  	_ =	shalt  }
0x7d: {  	_ =	shalt  }
0x7e: {  	_ =	shalt  }
0x7f: {  	_ =	shalt  }
0x80: {  	_ =	shalt  }
0x81: {  	_ =	shalt  }
0x82: {  	_ =	shalt  }
0x83: {  	_ =	shalt  }
0x84: {  	_ =	shalt  }
0x85: {  	_ =	shalt  }
0x86: {  	_ =	shalt  }
0x87: {  	_ =	shalt  }
.Lfunc_end0:
.L_simem_size_0:
called_computation.2_lowered:
.L_overlay_start_0:
0x88: {  	s2 =	sld [smem:$0x3FD9]  }
0x89: {  	s3 =	sld [smem:$0x3FFE];
	_ =	sdelay $0x1  }
0x8a: {  	s1 =	srdreg.scid  }
0x8b: {  	s0 =	sand.u32 $0x1, s1  }
0x8c: {  	s17 =	sshll.u32 s0, $0xA;
	s2 =	sadd.s32 s3, s2  }
0x8d: {  	s2 =	sadd.s32 s2, s17  }
0x8e: {  	[smem:$0x3FC0] =	sst s2  }
0x8f: {  	_ = 	snop  }
0x90: {  	s2 =	sld [smem:$0x3FD0];
	(tm) =	ssettm $0x1  }
0x91: {  	s18 =	sld [smem:$0x3FFB];
	_ =	sdelay $0x3  }
0x92: {  	_ =	strace s18  }
0x93: {  	s3 =	sld [smem:$0x3FFC];
	_ =	sdelay $0x3  }
0x94: {  	_ =	strace s3  }
0x95: {  	s3 =	sld [smem:$0x3FFD];
	_ =	sdelay $0x3  }
0x96: {  	_ =	strace s3  }
0x97: {  	_ =	strace $0x8FFFFFFF  }
0x98: {  	s19 =	sld [smem:$0x3FDB];
	_ =	sdelay $0x1  }
0x99: {  	s4 =	simm.s32 $_scs_section_size  }
0x9a: {  	s5 =	simm.s32 $_size__tile_overlayer_lowered;
	s6 =	simm.s32 $_tile_overlayer_lowered  }
0x9b: {  	s22 =	simm.s32 $0x1BFF;
	s21 =	sshll.u32 s6, $0x1;
	s3 =	sadd.s32 s4, s19  }
0x9c: {  	s7 =	simm.s32 $0x0;
	s20 =	sshll.u32 s5, $0x1;
	s5 =	sadd.s32 s21, s3  }
0x9d: {  	[timem:s7], [sflag:s22] =	dma.local [hbm:s5], s20  }
0x9e: {  	_ =	swait.ge [sflag:s22], s20  }
0x9f: {  	s4 =	ssub.s32 $0x0, s20;
	[sflag:s22] =	ssyncset.done $0x0  }
0xa0: {  	[sflag:s22] =	ssyncadd.s32 s4;
	_ =	sdelay $0x1  }
0xa1: {  	s23 =	simm.s32 $0x1B8B  }
0xa2: {  	_ =	swait.ge [sflag:s23], $0x1  }
0xa3: {  	[sflag:s23] =	ssyncset.done $0x0  }
0xa4: {  	s25 =	simm.s32 $0x1B8E;
	s24 =	sld [smem:$0x3FFE];
	[sflag:s23] =	ssyncadd.s32 $0xFFFFFFFF  }
0xa5: {  	s26 =	simm.s32 $execute0_lowered;
	[smem:$0x3FD2] =	sst s25  }
0xa6: {  	s5 =	sshll.u32 s26, $0x1;
	_ =	strace $0x8000004C;
	[dreg:$0x1] =	wrdreg $0xFFFFFFFF  }
0xa7: {  	s28 =	simm.s32 $_size_execute0_lowered;
	s3 =	sadd.s32 s3, s5;
	[dreg:$0x0] =	wrdreg $0x0  }
0xa8: {  	s5 =	sshll.u32 s28, $0x1;
	[dreg:$0x2] =	wrdreg s3  }
0xa9: {  	[dreg:$0x3] =	wrdreg s5  }
0xaa: {  	[dreg:$0x4] =	wrdreg $0xC0  }
0xab: {  	_ =	task [dreg:s7], $0x5FFFF  }
0xac: {  	[dreg:$0x1] =	wrdreg $0xFFFFFFFF  }
0xad: {  	[dreg:$0x0] =	wrdreg $0x60  }
0xae: {  	[dreg:$0x2] =	wrdreg s24  }
0xaf: {  	[dreg:$0x3] =	wrdreg s2  }
0xb0: {  	[dreg:$0x4] =	wrdreg $0x9  }
0xb1: {  	_ =	task.clear_ibuf [dreg:s7], $0x5FFFF;
	_ =	strace $0x9000004C  }
0xb2: {  	s29 =	simm.s32 $0x9;
	_ =	strace $0x8000004E  }
0xb3: {  	_ =	swait.ge [sflag:s29], $0x1  }
0xb4: {  	[sflag:s29] =	ssyncadd.s32 $0xFFFFFFFF  }
0xb5: {  	_ =	strace $0x9000004E  }
0xb6: {  	_ =	sfence  }
0xb7: {  	s30 =	sld [smem:$0x0];
	_ =	sdelay $0x2  }
0xb8: {  	s31 =	sshll.u32 s1, $0xD;
	s1 =	sshrl.u32 s1, $0x2  }
0xb9: {  	s3 =	sand.u32 $0x4000, s31;
	s1 =	sadd.s32 s1, s30  }
0xba: {  	s0 =	sor.u32 s3, s0;
	s1 =	sshll.u32 s1, $0x11  }
0xbb: {  	s0 =	sor.u32 s1, s0  }
0xbc: {  	s0 =	sadd.s32 $0x8F2B, s0  }
0xbd: {  	[sflag:s0] =	ssyncadd.remote.s32 $0x1  }
0xbe: {  	_ =	sfence.sel $0xFFFF  }
0xbf: {  	[dreg:$0x0] =	wrdreg $0xFFFFFFFF;
	(pc) =	sbr.abs _section_cstart, $3  }
0xc0: {  	[dreg:$0x1] =	wrdreg $0xFFFFFFFF  }
0xc1: {  	_ =	task.clear_ibuf [dreg:s7], $0x2FFFF;
	_ =	strace $0x9FFFFFFF  }
0xc2: {  	(tm) =	ssettm $0x7FFFFFFF  }
0xc3: {  	_ =	shalt  }
tec
execute0_lowered:
.L_overlay_start_1:
0x0: {  	(tag) =	ssettag $0x1  }
0x1: {  	s0 =	rddreg [dreg:$0x0];
	s2 =	srdreg.scid  }
0x2: {  	s3 =	rddreg [dreg:$0x1];
	s4 =	sand.u32 $0x1, s2;
	s2 =	simm.s32 $0x0  }
0x3: {  	s22 =	simm.s32 $0x80;
	[smem:$0x7FF] =	sst s2  }
0x4: {  	s23 =	simm.s32 $0x900;
	_ =	strace $0x8000004D;
	[dreg:$0x7] =	wrdreg s22  }
0x5: {  	s24 =	simm.s32 $0x1100;
	[dreg:$0x8] =	wrdreg s23  }
0x6: {  	s25 =	simm.s32 $0x1900;
	[dreg:$0x9] =	wrdreg s24  }
0x7: {  	s1 =	stileid.u32;
	s26 =	simm.s32 $0x2100;
	[dreg:$0xa] =	wrdreg s25  }
0x8: {  	s5 =	sshll.u32 s1, $0x4;
	s1 =	simm.s32 $0x2900;
	[dreg:$0xb] =	wrdreg s26  }
0x9: {  	s8 =	simm.s32 $0x4900;
	[dreg:$0xc] =	wrdreg s1  }
0xa: {  	s9 =	simm.s32 $0x5100;
	[dreg:$0x10] =	wrdreg s8  }
0xb: {  	s10 =	simm.s32 $0x5900;
	[dreg:$0x11] =	wrdreg s9  }
0xc: {  	s11 =	simm.s32 $0x6100;
	s12 =	simm.s32 $0x6900;
	[dreg:$0x12] =	wrdreg s10  }
0xd: {  	s13 =	simm.s32 $0x7100;
	s14 =	simm.s32 $0x7900;
	[dreg:$0x13] =	wrdreg s11  }
0xe: {  	s15 =	simm.s32 $0x8100;
	s16 =	simm.s32 $0x8900;
	[dreg:$0x14] =	wrdreg s12  }
0xf: {  	s17 =	simm.s32 $0x9100;
	s18 =	simm.s32 $0x9900;
	[dreg:$0x15] =	wrdreg s13  }
0x10: {  	s28 =	simm.s32 $0x16900;
	s29 =	simm.s32 $0x17100;
	[dreg:$0x16] =	wrdreg s14  }
0x11: {  	s30 =	simm.s32 $0x17900;
	s31 =	simm.s32 $0x1;
	[dreg:$0x17] =	wrdreg s15  }
0x12: {  	s6 =	sshll.u32 s4, $0x3;
	s4 =	ssub.s32 $0x2, s4;
	[dreg:$0x18] =	wrdreg s16  }
0x13: {  	s5 =	sor.u32 s6, s5;
	[dreg:$0x19] =	wrdreg s17;
	s19 =	sshrl.u32 s4, $0x1  }
0x14: {  	[dreg:$0x1a] =	wrdreg s18;
	s22 =	simm.s32 $0xB100;
	s23 =	simm.s32 $0xB900  }
0x15: {  	s24 =	simm.s32 $0xC900;
	s25 =	simm.s32 $0xD100;
	s8 =	simm.s32 $0x100  }
0x16: {  	s26 =	simm.s32 $0xD900;
	s9 =	simm.s32 $0xC100;
	s11 =	simm.s32 $0xE900  }
0x17: {  	s12 =	simm.s32 $0xF100;
	s13 =	simm.s32 $0xF900;
	[dreg:$0x1d] =	wrdreg s22  }
0x18: {  	s14 =	simm.s32 $0x10100;
	s15 =	simm.s32 $0x10900;
	[dreg:$0x1e] =	wrdreg s23  }
0x19: {  	s16 =	simm.s32 $0x11100;
	s17 =	simm.s32 $0x11900;
	[dreg:$0x1f] =	wrdreg s24  }
0x1a: {  	s18 =	simm.s32 $0x12100;
	s6 =	sadd.s32 s5, s0;
	[smem:$0x7FC] =	sst s25  }
0x1b: {  	s5 =	smul.u32 $0x300, s5;
	[smem:$0x7FD] =	sst s26;
	s7 =	sadd.s32 $0x252C00, s6  }
0x1c: {  	s22 =	simm.s32 $0x14100;
	s6 =	sadd.s32 $0x12800, s6;
	[dreg:$0x3] =	wrdreg s7  }
0x1d: {  	s23 =	simm.s32 $0x14900;
	[dreg:$0x4] =	wrdreg s6;
	s3 =	sadd.s32 s3, s5  }
0x1e: {  	s20 =	sadd.s32 s5, s0;
	s5 =	simm.s32 $0x3100;
	[dreg:$0x5] =	wrdreg s3  }
0x1f: {  	s24 =	simm.s32 $0x15100;
	s6 =	simm.s32 $0x3900;
	[dreg:$0xd] =	wrdreg s5  }
0x20: {  	s25 =	simm.s32 $0x15900;
	s7 =	simm.s32 $0x4100;
	[dreg:$0xe] =	wrdreg s6  }
0x21: {  	s26 =	simm.s32 $0x16100;
	s21 =	sadd.s32 $0x132A00, s20;
	[dreg:$0xf] =	wrdreg s7  }
0x22: {  	s3 =	sadd.s32 $0x12A00, s0;
	s20 =	simm.s32 $0xA100;
	s6 =	ssub.s32 s4, s19  }
0x23: {  	s4 =	sadd.s32 $0x12B00, s0;
	s5 =	sadd.s32 $0x12C00, s0;
	s7 =	simm.s32 $0x3  }
0x24: {  	v2 =	vlaneseq.u32;
	s19 =	simm.s32 $0x12900;
	s0 =	simm.s32 $0x2;
	[dreg:$0x6] =	wrdreg s21  }
0x25: {  	vm0 =	vmmov $0xffff;
	v1 =	vshrl.u32 v2, $0x3;
	[dreg:$0x1b] =	wrdreg s20;
	s21 =	simm.s32 $0xA900;
	s6 =	smax.u32 s6, $0x1  }
0x26: {  	v0 =	vand.u32 $0x7, v2;
	v2 =	vor.u32 $0x8, v2;
	v1 =	vmul.u32 $0x8, v1;
	s20 =	simm.s32 $0x13100;
	[dreg:$0x1c] =	wrdreg s21;
	s21 =	simm.s32 $0x13900  }
.LBB2_1:
0x27: {  	s1 =	rddreg [dreg:$0x3]  }
0x28: {  	[tilespmem:s2], [sflag:$0x3] =	stream.linear.gather [hbm4b:s1+s2], $0x40, $0x38;
	[tilespmem:$0x18100] =	vst v63  }
0x29: {  	_ =	swait.ge [sflag:s7], $0x40  }
0x2a: {  	s1 =	rddreg [dreg:$0x4];
	[sflag:s7] =	ssyncset.done $0x0  }
0x2b: {  	s10 =	rddreg [dreg:$0x7];
	[sflag:s7] =	ssyncadd.s32 $0xFFFFFFC0  }
0x2c: {  	[tilespmem:s10], [sflag:$0x3] =	stream.linear.gather [hbm4b:s1+s2], $0x40, $0x38;
	[tilespmem:$0x18100] =	vst v63  }
0x2d: {  	_ =	swait.ge [sflag:s7], $0x40  }
0x2e: {  	[sflag:s7] =	ssyncset.done $0x0  }
0x2f: {  	[sflag:s7] =	ssyncadd.s32 $0xFFFFFFC0  }
0x30: {  	v3 =	vld [tilespmem:$0x0];
	_ =	sdelay $0x4  }
0x31: {  	v4 =	vshrl.u32 v3, $0x3  }
0x32: {  	v4 =	vmul.u32 $0x30, v4  }
0x33: {  	v3 =	vand.u32 $0x7, v3  }
0x34: {  	v3 =	vor.u32 v3, v4  }
0x35: {  	v4 =	vperm.xlane v3, v0;
	_ =	sdelay $0x1  }
0x36: {  	v4 =	vadd.s32 v1, v4;
	_ =	sdelay $0x3  }
0x37: {  	v3 =	vperm.xlane v3, v2  }
0x38: {  	[tilespmem:s8], [sflag:$0x1] =	stream.indirect_vreg.gather [hbm4b:s3+s2], $0x80, v4, vm0, $0xb8;
	[tilespmem:$0x18100] =	vst v63  }
0x39: {  	s1 =	rddreg [dreg:$0x8];
	v3 =	vadd.s32 v1, v3  }
0x3a: {  	[tilespmem:s1], [sflag:$0x1] =	stream.indirect_vreg.gather [hbm4b:s4+s2], $0x80, v4, vm0, $0xb8;
	[tilespmem:$0x18100] =	vst v63  }
0x3b: {  	s10 =	rddreg [dreg:$0x9]  }
0x3c: {  	[tilespmem:s10], [sflag:$0x1] =	stream.indirect_vreg.gather [hbm4b:s5+s2], $0x80, v4, vm0, $0xb8;
	[tilespmem:$0x18100] =	vst v63  }
0x3d: {  	s1 =	rddreg [dreg:$0xa]  }
0x3e: {  	[tilespmem:s1], [sflag:$0x1] =	stream.indirect_vreg.gather [hbm4b:s3+s2], $0x80, v3, vm0, $0xb8;
	[tilespmem:$0x18100] =	vst v63  }
0x3f: {  	s10 =	rddreg [dreg:$0xb]  }
0x40: {  	[tilespmem:s10], [sflag:$0x1] =	stream.indirect_vreg.gather [hbm4b:s4+s2], $0x80, v3, vm0, $0xb8;
	[tilespmem:$0x18100] =	vst v63  }
0x41: {  	s1 =	rddreg [dreg:$0xc]  }
0x42: {  	[tilespmem:s1], [sflag:$0x1] =	stream.indirect_vreg.gather [hbm4b:s5+s2], $0x80, v3, vm0, $0xb8;
	[tilespmem:$0x18100] =	vst v63  }
0x43: {  	v3 =	vld [tilespmem:$0x10];
	_ =	sdelay $0x4  }
0x44: {  	v57 =	vshrl.u32 v3, $0x3  }
0x45: {  	v4 =	vmul.u32 $0x30, v57  }
0x46: {  	v3 =	vand.u32 $0x7, v3  }
0x47: {  	v3 =	vor.u32 v3, v4  }
0x48: {  	v4 =	vperm.xlane v3, v0;
	_ =	sdelay $0x1  }
0x49: {  	v4 =	vadd.s32 v1, v4;
	_ =	sdelay $0x3  }
0x4a: {  	s1 =	rddreg [dreg:$0xd];
	v3 =	vperm.xlane v3, v2  }
0x4b: {  	[tilespmem:s1], [sflag:$0x1] =	stream.indirect_vreg.gather [hbm4b:s3+s2], $0x80, v4, vm0, $0xb8;
	[tilespmem:$0x18100] =	vst v63  }
0x4c: {  	s10 =	rddreg [dreg:$0xe];
	v3 =	vadd.s32 v1, v3  }
0x4d: {  	[tilespmem:s10], [sflag:$0x1] =	stream.indirect_vreg.gather [hbm4b:s4+s2], $0x80, v4, vm0, $0xb8;
	[tilespmem:$0x18100] =	vst v63  }
0x4e: {  	s1 =	rddreg [dreg:$0xf]  }
0x4f: {  	[tilespmem:s1], [sflag:$0x1] =	stream.indirect_vreg.gather [hbm4b:s5+s2], $0x80, v4, vm0, $0xb8;
	[tilespmem:$0x18100] =	vst v63  }
0x50: {  	s10 =	rddreg [dreg:$0x10]  }
0x51: {  	[tilespmem:s10], [sflag:$0x1] =	stream.indirect_vreg.gather [hbm4b:s3+s2], $0x80, v3, vm0, $0xb8;
	[tilespmem:$0x18100] =	vst v63  }
0x52: {  	s1 =	rddreg [dreg:$0x11]  }
0x53: {  	[tilespmem:s1], [sflag:$0x1] =	stream.indirect_vreg.gather [hbm4b:s4+s2], $0x80, v3, vm0, $0xb8;
	[tilespmem:$0x18100] =	vst v63  }
0x54: {  	s10 =	rddreg [dreg:$0x12]  }
0x55: {  	[tilespmem:s10], [sflag:$0x1] =	stream.indirect_vreg.gather [hbm4b:s5+s2], $0x80, v3, vm0, $0xb8;
	[tilespmem:$0x18100] =	vst v63  }
0x56: {  	v3 =	vld [tilespmem:$0x20];
	_ =	sdelay $0x4  }
0x57: {  	v58 =	vshrl.u32 v3, $0x3  }
0x58: {  	v4 =	vmul.u32 $0x30, v58  }
0x59: {  	v3 =	vand.u32 $0x7, v3  }
0x5a: {  	v3 =	vor.u32 v3, v4  }
0x5b: {  	v4 =	vperm.xlane v3, v0;
	_ =	sdelay $0x1  }
0x5c: {  	v4 =	vadd.s32 v1, v4;
	_ =	sdelay $0x3  }
0x5d: {  	s1 =	rddreg [dreg:$0x13];
	v3 =	vperm.xlane v3, v2  }
0x5e: {  	[tilespmem:s1], [sflag:$0x1] =	stream.indirect_vreg.gather [hbm4b:s3+s2], $0x80, v4, vm0, $0xb8;
	[tilespmem:$0x18100] =	vst v63  }
0x5f: {  	s10 =	rddreg [dreg:$0x14];
	v3 =	vadd.s32 v1, v3  }
0x60: {  	[tilespmem:s10], [sflag:$0x1] =	stream.indirect_vreg.gather [hbm4b:s4+s2], $0x80, v4, vm0, $0xb8;
	[tilespmem:$0x18100] =	vst v63  }
0x61: {  	s1 =	rddreg [dreg:$0x15]  }
0x62: {  	[tilespmem:s1], [sflag:$0x1] =	stream.indirect_vreg.gather [hbm4b:s5+s2], $0x80, v4, vm0, $0xb8;
	[tilespmem:$0x18100] =	vst v63  }
0x63: {  	s10 =	rddreg [dreg:$0x16]  }
0x64: {  	[tilespmem:s10], [sflag:$0x1] =	stream.indirect_vreg.gather [hbm4b:s3+s2], $0x80, v3, vm0, $0xb8;
	[tilespmem:$0x18100] =	vst v63  }
0x65: {  	s1 =	rddreg [dreg:$0x17]  }
0x66: {  	[tilespmem:s1], [sflag:$0x1] =	stream.indirect_vreg.gather [hbm4b:s4+s2], $0x80, v3, vm0, $0xb8;
	[tilespmem:$0x18100] =	vst v63  }
0x67: {  	s10 =	rddreg [dreg:$0x18]  }
0x68: {  	[tilespmem:s10], [sflag:$0x1] =	stream.indirect_vreg.gather [hbm4b:s5+s2], $0x80, v3, vm0, $0xb8;
	[tilespmem:$0x18100] =	vst v63  }
0x69: {  	v3 =	vld [tilespmem:$0x30];
	_ =	sdelay $0x4  }
0x6a: {  	v59 =	vshrl.u32 v3, $0x3  }
0x6b: {  	v4 =	vmul.u32 $0x30, v59  }
0x6c: {  	v3 =	vand.u32 $0x7, v3  }
0x6d: {  	v3 =	vor.u32 v3, v4  }
0x6e: {  	v4 =	vperm.xlane v3, v0;
	_ =	sdelay $0x1  }
0x6f: {  	v4 =	vadd.s32 v1, v4;
	_ =	sdelay $0x3  }
0x70: {  	s1 =	rddreg [dreg:$0x19];
	v3 =	vperm.xlane v3, v2  }
0x71: {  	[tilespmem:s1], [sflag:$0x1] =	stream.indirect_vreg.gather [hbm4b:s3+s2], $0x80, v4, vm0, $0xb8;
	[tilespmem:$0x18100] =	vst v63  }
0x72: {  	s10 =	rddreg [dreg:$0x1a];
	v3 =	vadd.s32 v1, v3  }
0x73: {  	[tilespmem:s10], [sflag:$0x1] =	stream.indirect_vreg.gather [hbm4b:s4+s2], $0x80, v4, vm0, $0xb8;
	[tilespmem:$0x18100] =	vst v63  }
0x74: {  	s1 =	rddreg [dreg:$0x1b]  }
0x75: {  	[tilespmem:s1], [sflag:$0x1] =	stream.indirect_vreg.gather [hbm4b:s5+s2], $0x80, v4, vm0, $0xb8;
	[tilespmem:$0x18100] =	vst v63  }
0x76: {  	s10 =	rddreg [dreg:$0x1c]  }
0x77: {  	[tilespmem:s10], [sflag:$0x1] =	stream.indirect_vreg.gather [hbm4b:s3+s2], $0x80, v3, vm0, $0xb8;
	[tilespmem:$0x18100] =	vst v63  }
0x78: {  	s1 =	rddreg [dreg:$0x1d]  }
0x79: {  	[tilespmem:s1], [sflag:$0x1] =	stream.indirect_vreg.gather [hbm4b:s4+s2], $0x80, v3, vm0, $0xb8;
	[tilespmem:$0x18100] =	vst v63  }
0x7a: {  	s10 =	rddreg [dreg:$0x1e]  }
0x7b: {  	[tilespmem:s10], [sflag:$0x1] =	stream.indirect_vreg.gather [hbm4b:s5+s2], $0x80, v3, vm0, $0xb8;
	[tilespmem:$0x18100] =	vst v63  }
0x7c: {  	v3 =	vld [tilespmem:$0x80];
	_ =	sdelay $0x4  }
0x7d: {  	v60 =	vshrl.u32 v3, $0x3  }
0x7e: {  	v4 =	vmul.u32 $0x30, v60  }
0x7f: {  	v3 =	vand.u32 $0x7, v3  }
0x80: {  	v3 =	vor.u32 v3, v4  }
0x81: {  	v4 =	vperm.xlane v3, v0;
	_ =	sdelay $0x1  }
0x82: {  	v4 =	vadd.s32 v1, v4;
	_ =	sdelay $0x3  }
0x83: {  	s1 =	rddreg [dreg:$0x1f];
	v3 =	vperm.xlane v3, v2  }
0x84: {  	[tilespmem:s9], [sflag:$0x1] =	stream.indirect_vreg.gather [hbm4b:s3+s2], $0x80, v4, vm0, $0xb8;
	[tilespmem:$0x18100] =	vst v63  }
0x85: {  	s10 =	sld [smem:$0x7FC];
	v3 =	vadd.s32 v1, v3  }
0x86: {  	[tilespmem:s1], [sflag:$0x1] =	stream.indirect_vreg.gather [hbm4b:s4+s2], $0x80, v4, vm0, $0xb8;
	[tilespmem:$0x18100] =	vst v63  }
0x87: {  	s1 =	sld [smem:$0x7FD]  }
0x88: {  	[tilespmem:s10], [sflag:$0x1] =	stream.indirect_vreg.gather [hbm4b:s5+s2], $0x80, v4, vm0, $0xb8;
	[tilespmem:$0x18100] =	vst v63  }
0x89: {  	_ = 	snop  }
0x8a: {  	[tilespmem:s1], [sflag:$0x1] =	stream.indirect_vreg.gather [hbm4b:s3+s2], $0x80, v3, vm0, $0xb8;
	[tilespmem:$0x18100] =	vst v63  }
0x8b: {  	s10 =	simm.s32 $0xE100  }
0x8c: {  	[tilespmem:s10], [sflag:$0x1] =	stream.indirect_vreg.gather [hbm4b:s4+s2], $0x80, v3, vm0, $0xb8;
	[tilespmem:$0x18100] =	vst v63  }
0x8d: {  	_ = 	snop  }
0x8e: {  	[tilespmem:s11], [sflag:$0x1] =	stream.indirect_vreg.gather [hbm4b:s5+s2], $0x80, v3, vm0, $0xb8;
	[tilespmem:$0x18100] =	vst v63  }
0x8f: {  	v3 =	vld [tilespmem:$0x90];
	_ =	sdelay $0x4  }
0x90: {  	v61 =	vshrl.u32 v3, $0x3  }
0x91: {  	v4 =	vmul.u32 $0x30, v61  }
0x92: {  	v3 =	vand.u32 $0x7, v3  }
0x93: {  	v3 =	vor.u32 v3, v4  }
0x94: {  	v4 =	vperm.xlane v3, v0;
	_ =	sdelay $0x1  }
0x95: {  	v4 =	vadd.s32 v1, v4;
	_ =	sdelay $0x3  }
0x96: {  	v3 =	vperm.xlane v3, v2  }
0x97: {  	[tilespmem:s12], [sflag:$0x1] =	stream.indirect_vreg.gather [hbm4b:s3+s2], $0x80, v4, vm0, $0xb8;
	[tilespmem:$0x18100] =	vst v63  }
0x98: {  	v3 =	vadd.s32 v1, v3  }
0x99: {  	[tilespmem:s13], [sflag:$0x1] =	stream.indirect_vreg.gather [hbm4b:s4+s2], $0x80, v4, vm0, $0xb8;
	[tilespmem:$0x18100] =	vst v63  }
0x9a: {  	_ = 	snop  }
0x9b: {  	[tilespmem:s14], [sflag:$0x1] =	stream.indirect_vreg.gather [hbm4b:s5+s2], $0x80, v4, vm0, $0xb8;
	[tilespmem:$0x18100] =	vst v63  }
0x9c: {  	_ = 	snop  }
0x9d: {  	[tilespmem:s15], [sflag:$0x1] =	stream.indirect_vreg.gather [hbm4b:s3+s2], $0x80, v3, vm0, $0xb8;
	[tilespmem:$0x18100] =	vst v63  }
0x9e: {  	_ = 	snop  }
0x9f: {  	[tilespmem:s16], [sflag:$0x1] =	stream.indirect_vreg.gather [hbm4b:s4+s2], $0x80, v3, vm0, $0xb8;
	[tilespmem:$0x18100] =	vst v63  }
0xa0: {  	_ = 	snop  }
0xa1: {  	[tilespmem:s17], [sflag:$0x1] =	stream.indirect_vreg.gather [hbm4b:s5+s2], $0x80, v3, vm0, $0xb8;
	[tilespmem:$0x18100] =	vst v63  }
0xa2: {  	v3 =	vld [tilespmem:$0xA0];
	_ =	sdelay $0x4  }
0xa3: {  	v62 =	vshrl.u32 v3, $0x3  }
0xa4: {  	v4 =	vmul.u32 $0x30, v62  }
0xa5: {  	v3 =	vand.u32 $0x7, v3  }
0xa6: {  	v3 =	vor.u32 v3, v4  }
0xa7: {  	v4 =	vperm.xlane v3, v0;
	_ =	sdelay $0x1  }
0xa8: {  	v4 =	vadd.s32 v1, v4;
	_ =	sdelay $0x3  }
0xa9: {  	v3 =	vperm.xlane v3, v2  }
0xaa: {  	[tilespmem:s18], [sflag:$0x1] =	stream.indirect_vreg.gather [hbm4b:s3+s2], $0x80, v4, vm0, $0xb8;
	[tilespmem:$0x18100] =	vst v63  }
0xab: {  	v3 =	vadd.s32 v1, v3  }
0xac: {  	[tilespmem:s19], [sflag:$0x1] =	stream.indirect_vreg.gather [hbm4b:s4+s2], $0x80, v4, vm0, $0xb8;
	[tilespmem:$0x18100] =	vst v63  }
0xad: {  	_ = 	snop  }
0xae: {  	[tilespmem:s20], [sflag:$0x1] =	stream.indirect_vreg.gather [hbm4b:s5+s2], $0x80, v4, vm0, $0xb8;
	[tilespmem:$0x18100] =	vst v63  }
0xaf: {  	_ = 	snop  }
0xb0: {  	[tilespmem:s21], [sflag:$0x1] =	stream.indirect_vreg.gather [hbm4b:s3+s2], $0x80, v3, vm0, $0xb8;
	[tilespmem:$0x18100] =	vst v63  }
0xb1: {  	_ = 	snop  }
0xb2: {  	[tilespmem:s22], [sflag:$0x1] =	stream.indirect_vreg.gather [hbm4b:s4+s2], $0x80, v3, vm0, $0xb8;
	[tilespmem:$0x18100] =	vst v63  }
0xb3: {  	_ = 	snop  }
0xb4: {  	[tilespmem:s23], [sflag:$0x1] =	stream.indirect_vreg.gather [hbm4b:s5+s2], $0x80, v3, vm0, $0xb8;
	[tilespmem:$0x18100] =	vst v63  }
0xb5: {  	v3 =	vld [tilespmem:$0xB0];
	_ =	sdelay $0x4  }
0xb6: {  	v63 =	vshrl.u32 v3, $0x3  }
0xb7: {  	v4 =	vmul.u32 $0x30, v63  }
0xb8: {  	v3 =	vand.u32 $0x7, v3  }
0xb9: {  	v3 =	vor.u32 v3, v4  }
0xba: {  	v4 =	vperm.xlane v3, v0;
	_ =	sdelay $0x1  }
0xbb: {  	v4 =	vadd.s32 v1, v4;
	_ =	sdelay $0x3  }
0xbc: {  	v3 =	vperm.xlane v3, v2  }
0xbd: {  	[tilespmem:s24], [sflag:$0x1] =	stream.indirect_vreg.gather [hbm4b:s3+s2], $0x80, v4, vm0, $0xb8;
	[tilespmem:$0x18100] =	vst v63  }
0xbe: {  	v3 =	vadd.s32 v1, v3  }
0xbf: {  	[tilespmem:s25], [sflag:$0x1] =	stream.indirect_vreg.gather [hbm4b:s4+s2], $0x80, v4, vm0, $0xb8;
	[tilespmem:$0x18100] =	vst v63  }
0xc0: {  	_ = 	snop  }
0xc1: {  	[tilespmem:s26], [sflag:$0x1] =	stream.indirect_vreg.gather [hbm4b:s5+s2], $0x80, v4, vm0, $0xb8;
	[tilespmem:$0x18100] =	vst v63  }
0xc2: {  	_ = 	snop  }
0xc3: {  	[tilespmem:s28], [sflag:$0x1] =	stream.indirect_vreg.gather [hbm4b:s3+s2], $0x80, v3, vm0, $0xb8;
	[tilespmem:$0x18100] =	vst v63  }
0xc4: {  	_ = 	snop  }
0xc5: {  	[tilespmem:s29], [sflag:$0x1] =	stream.indirect_vreg.gather [hbm4b:s4+s2], $0x80, v3, vm0, $0xb8;
	[tilespmem:$0x18100] =	vst v63  }
0xc6: {  	_ = 	snop  }
0xc7: {  	[tilespmem:s30], [sflag:$0x1] =	stream.indirect_vreg.gather [hbm4b:s5+s2], $0x80, v3, vm0, $0xb8;
	[tilespmem:$0x18100] =	vst v63  }
0xc8: {  	_ =	swait.ge [sflag:s31], $0xC000  }
0xc9: {  	[sflag:s31] =	ssyncset.done $0x0  }
0xca: {  	s10 =	rddreg [dreg:$0x5];
	[sflag:s31] =	ssyncadd.s32 $0xFFFF4000  }
0xcb: {  	[hbm4b:s10+s2] =	stream.linear.scatter [tilespmem:s8], [sflag:$0x2], $0xC000, $0x38;
	[tilespmem:$0x18100] =	vst v63  }
0xcc: {  	_ =	swait.ge [sflag:s31], $0xC000  }
0xcd: {  	[sflag:s31] =	ssyncset.done $0x0  }
0xce: {  	s10 =	rddreg [dreg:$0x6];
	[sflag:s31] =	ssyncadd.s32 $0xFFFF4000  }
0xcf: {  	[hbm4b:s10+s2] =	stream.linear.scatter [tilespmem:s9], [sflag:$0x2], $0xC000, $0x38;
	[tilespmem:$0x18100] =	vst v63  }
0xd0: {  	p0 =	sne.s32 s6, $0x1;
	_ =	swait.ge [sflag:s0], $0xC000  }
.Ltmp0:
0xd1: {  	[sflag:s0] =	ssyncset.done $0x0;
	(pc) =	sbr.rel @p0 .LBB2_1-.Ltmp0, $4  }
0xd2: {  	[sflag:s0] =	ssyncadd.s32 $0xFFFF4000  }
0xd3: {  	_ =	swait.ge [sflag:s0], $0xC000  }
0xd4: {  	[sflag:s0] =	ssyncset.done $0x0  }
0xd5: {  	s6 =	sadd.s32 $0xFFFFFFFF, s6;
	[sflag:s0] =	ssyncadd.s32 $0xFFFF4000  }
0xd6: {  	_ =	sfence.sel $0x180000  }
0xd7: {  	[bflag:$0x0] =	sbarrier.arrive $0xFFFF  }
0xd8: {  	_ =	strace $0x9000004D  }
0xd9: {  	s0 =	stileid.u32;
	[bflag:$0x2] =	sbarrier.arrive $0xFFFF  }
0xda: {  	p0 =	sne.s32 s0, $0x0;
	s0 =	rddreg [dreg:$0x2]  }
0xdb: {  	s0 =	sadd.s32 @!p0 $0x100000, s0  }
0xdc: {  	[sflag:s0] =	ssyncadd.tile.s32 @!p0 $0x1;
	_ =	shalt  }
.Lfunc_end2:
_tile_overlayer_lowered:
.L_overlay_start_2:
0xdd: {  	(tag) =	ssettag $0x2  }
0xde: {  	s0 =	rddreg [dreg:$0x0];
	s2 =	stileid.u32  }
0xdf: {  	s1 =	rddreg [dreg:$0x1];
	p0 =	sne.s32 s2, $0x0  }
0xe0: {  	s3 =	rddreg [dreg:$0x2];
	[bflag:$0x3] =	sbarrier.arrive $0xFFFF;
	s2 =	simm.s32 @!p0 $0x1C03  }
0xe1: {  	[timem:s3], [sflag:s2] =	dma.local @!p0 [hbm:s0], s1  }
0xe2: {  	s0 =	simm.s32 @!p0 $0x3  }
0xe3: {  	_ =	swait.ge @!p0 [sflag:s0], s1  }
0xe4: {  	s1 =	ssub.s32 @!p0 $0x0, s1;
	[sflag:s0] =	ssyncset.done @!p0 $0x0  }
0xe5: {  	[sflag:s0] =	ssyncadd.s32 @!p0 s1  }
0xe6: {  	[bflag:$0x3] =	sbarrier.arrive $0xFFFF  }
0xe7: {  	_ =	shalt  }

// kernel: kernel.9.cloned.1.call-start
scs
__scs_entry_jumppad:
0x0: {  	(pc) =	sbr.rel $0x88, $3  }
0x1: {  	(tag) =	ssettag $0x0;
	lr =	simm.s32 $0x1  }
0x2: {  	[smem:$0x3F99] =	sst lr;
	_ =	strace $0xD0000000  }
0x3: {  	_ = 	snop  }
0x4: {  	_ = 	snop  }
0x5: {  	_ = 	snop  }
0x6: {  	_ = 	snop  }
0x7: {  	_ = 	snop  }
__scs_overlays_trampoline_lowered:
0x8: {  	[smem:$0x3FA8] =	sst s0  }
0x9: {  	[smem:$0x3FA9] =	sst s1  }
0xa: {  	[smem:$0x3FAA] =	sst s2  }
0xb: {  	[smem:$0x3FAB] =	sst s3  }
0xc: {  	[smem:$0x3FAC] =	sst s4  }
0xd: {  	[smem:$0x3FAD] =	sst s5  }
0xe: {  	[smem:$0x3FAE] =	sst s6  }
0xf: {  	[smem:$0x3FAF] =	sst s7  }
0x10: {  	[smem:$0x3FB0] =	sst s8  }
0x11: {  	[smem:$0x3FB1] =	sst s9;
	s0 =	simm.s32 @!p0 $0x0  }
0x12: {  	s1 =	sld [smem:$0x3F97];
	s0 =	simm.s32 @p0 $0x1  }
0x13: {  	[smem:$0x3FB2] =	sst s0;
	s0 =	simm.s32 @!p1 $0x0  }
0x14: {  	s2 =	sld [smem:$0x3F96];
	s0 =	simm.s32 @p1 $0x1  }
0x15: {  	[smem:$0x3FB3] =	sst s0;
	s0 =	simm.s32 @!p2 $0x0  }
0x16: {  	s3 =	sld [smem:$0x3FDB];
	s0 =	simm.s32 @p2 $0x1  }
0x17: {  	s4 =	simm.s32 $0x1BF5;
	[smem:$0x3FB5] =	sst s0  }
0x18: {  	s0 =	sld [smem:$0x3F98];
	_ =	swait.ge [sflag:s4], $0x0  }
0x19: {  	s7 =	sld [smem:$0x3F99]  }
0x1a: {  	s8 =	sadd.s32 $0xFFFFE003, lr  }
0x1b: {  	s9 =	sadd.s32 $0xFFFFFEF7, lr;
	s5 =	simm.s32 $0xFFFFFFFF;
	p2 =	slt.u32 s8, $0xFFFFF086  }
0x1c: {  	p1 =	slt.u32 s9, $0xF7A;
	s5 =	simm.s32 @!p2 $0x0  }
0x1d: {  	s5 =	simm.s32 @p1 $0x1;
	p0 =	seq.s32 s7, s2  }
0x1e: {  	s7 =	smul.u32 @!p0 $0xF7A, s2;
	p2 =	seq.s32 @!p0 s5, $0x0  }
0x1f: {  	s9 =	smul.u32 $0xF7A, s1;
	s8 =	simm.s32 @!p0 $0x1BF5;
	p2 =	por !p2, p0  }
0x20: {  	[sflag:s8] =	ssyncset.s32 @!p0 $0xFFFFF086;
	s6 =	sadd.s32 @!p0 s3, s7;
	s7 =	simm.s32 @!p0 $0x108  }
0x21: {  	s3 =	sadd.s32 s3, s9;
	s6 =	sadd.s32 @!p0 $0x88, s6;
	s7 =	simm.s32 @p2 $0x1082  }
0x22: {  	[simem:s7], [sflag:s8] =	dma.local @!p0 [hbm:s6], $0xF7A  }
0x23: {  	s9 =	sor.u32 $0xD0000000, s2;
	s6 =	simm.s32 $0x108;
	_ =	swait.ge @!p0 [sflag:s8], $0x0  }
0x24: {  	s3 =	sadd.s32 $0x88, s3;
	s6 =	simm.s32 @!p1 $0x1082;
	[sflag:s4] =	ssyncset.s32 $0xFFFFF086  }
0x25: {  	[simem:s6], [sflag:s4] =	dma.local [hbm:s3], $0xF7A  }
0x26: {  	[smem:$0x3F99] =	sst s1;
	(tag) =	ssettag s2;
	_ =	strace s9  }
0x27: {  	s1 =	sld [smem:$0x3FA9]  }
0x28: {  	s2 =	sld [smem:$0x3FAA]  }
0x29: {  	s4 =	sld [smem:$0x3FAC]  }
0x2a: {  	p0 =	seq.s32 s5, $0x0;
	s5 =	sld [smem:$0x3FAD]  }
0x2b: {  	s6 =	sld [smem:$0x3FAE]  }
0x2c: {  	s7 =	sld [smem:$0x3FAF]  }
0x2d: {  	s3 =	simm.s32 $0x108;
	s8 =	sld [smem:$0x3FB0]  }
0x2e: {  	s3 =	simm.s32 @!p0 $0x1082;
	s9 =	sld [smem:$0x3FB1]  }
0x2f: {  	lr =	sadd.s32 s0, s3;
	s0 =	sld [smem:$0x3FA8]  }
0x30: {  	s3 =	sld [smem:$0x3FAB]  }
0x31: {  	[smem:$0x3FB4] =	sst s10  }
0x32: {  	s10 =	sld [smem:$0x3FB2];
	_ =	sdelay $0x3  }
0x33: {  	p0 =	seq.s32 s10, $0x1;
	s10 =	sld [smem:$0x3FB4];
	_ =	sdelay $0x3  }
0x34: {  	[smem:$0x3FB4] =	sst s10  }
0x35: {  	s10 =	sld [smem:$0x3FB3];
	_ =	sdelay $0x3  }
0x36: {  	p1 =	seq.s32 s10, $0x1;
	s10 =	sld [smem:$0x3FB4];
	_ =	sdelay $0x3  }
0x37: {  	[smem:$0x3FB4] =	sst s10  }
0x38: {  	s10 =	sld [smem:$0x3FB5]  }
0x39: {  	_ = 	snop;
	(pc) =	sbr.ind lr, $3  }
0x3a: {  	_ = 	snop  }
0x3b: {  	_ = 	snop  }
0x3c: {  	p2 =	seq.s32 s10, $0x1;
	s10 =	sld [smem:$0x3FB4]  }
0x3d: {  	_ =	shalt  }
0x3e: {  	_ =	shalt  }
0x3f: {  	_ =	shalt  }
0x40: {  	_ =	shalt  }
0x41: {  	_ =	shalt  }
0x42: {  	_ =	shalt  }
0x43: {  	_ =	shalt  }
0x44: {  	_ =	shalt  }
0x45: {  	_ =	shalt  }
0x46: {  	_ =	shalt  }
0x47: {  	_ =	shalt  }
0x48: {  	_ =	shalt  }
0x49: {  	_ =	shalt  }
0x4a: {  	_ =	shalt  }
0x4b: {  	_ =	shalt  }
0x4c: {  	_ =	shalt  }
0x4d: {  	_ =	shalt  }
0x4e: {  	_ =	shalt  }
0x4f: {  	_ =	shalt  }
0x50: {  	_ =	shalt  }
0x51: {  	_ =	shalt  }
0x52: {  	_ =	shalt  }
0x53: {  	_ =	shalt  }
0x54: {  	_ =	shalt  }
0x55: {  	_ =	shalt  }
0x56: {  	_ =	shalt  }
0x57: {  	_ =	shalt  }
0x58: {  	_ =	shalt  }
0x59: {  	_ =	shalt  }
0x5a: {  	_ =	shalt  }
0x5b: {  	_ =	shalt  }
0x5c: {  	_ =	shalt  }
0x5d: {  	_ =	shalt  }
0x5e: {  	_ =	shalt  }
0x5f: {  	_ =	shalt  }
0x60: {  	_ =	shalt  }
0x61: {  	_ =	shalt  }
0x62: {  	_ =	shalt  }
0x63: {  	_ =	shalt  }
0x64: {  	_ =	shalt  }
0x65: {  	_ =	shalt  }
0x66: {  	_ =	shalt  }
0x67: {  	_ =	shalt  }
0x68: {  	_ =	shalt  }
0x69: {  	_ =	shalt  }
0x6a: {  	_ =	shalt  }
0x6b: {  	_ =	shalt  }
0x6c: {  	_ =	shalt  }
0x6d: {  	_ =	shalt  }
0x6e: {  	_ =	shalt  }
0x6f: {  	_ =	shalt  }
0x70: {  	_ =	shalt  }
0x71: {  	_ =	shalt  }
0x72: {  	_ =	shalt  }
0x73: {  	_ =	shalt  }
0x74: {  	_ =	shalt  }
0x75: {  	_ =	shalt  }
0x76: {  	_ =	shalt  }
0x77: {  	_ =	shalt  }
0x78: {  	_ =	shalt  }
0x79: {  	_ =	shalt  }
0x7a: {  	_ =	shalt  }
0x7b: {  	_ =	shalt  }
0x7c: {  	_ =	shalt  }
0x7d: {  	_ =	shalt  }
0x7e: {  	_ =	shalt  }
0x7f: {  	_ =	shalt  }
0x80: {  	_ =	shalt  }
0x81: {  	_ =	shalt  }
0x82: {  	_ =	shalt  }
0x83: {  	_ =	shalt  }
0x84: {  	_ =	shalt  }
0x85: {  	_ =	shalt  }
0x86: {  	_ =	shalt  }
0x87: {  	_ =	shalt  }
.Lfunc_end0:
.L_simem_size_0:
called_computation.1_lowered:
.L_overlay_start_0:
0x88: {  	s2 =	sld [smem:$0x3FD9]  }
0x89: {  	s3 =	sld [smem:$0x3FFE];
	_ =	sdelay $0x1  }
0x8a: {  	s1 =	srdreg.scid  }
0x8b: {  	s0 =	sand.u32 $0x1, s1  }
0x8c: {  	s17 =	sshll.u32 s0, $0xA;
	s2 =	sadd.s32 s3, s2  }
0x8d: {  	s2 =	sadd.s32 s2, s17  }
0x8e: {  	[smem:$0x3FC0] =	sst s2  }
0x8f: {  	_ = 	snop  }
0x90: {  	s2 =	sld [smem:$0x3FD0];
	(tm) =	ssettm $0x1  }
0x91: {  	s18 =	sld [smem:$0x3FFB];
	_ =	sdelay $0x3  }
0x92: {  	_ =	strace s18  }
0x93: {  	s3 =	sld [smem:$0x3FFC];
	_ =	sdelay $0x3  }
0x94: {  	_ =	strace s3  }
0x95: {  	s3 =	sld [smem:$0x3FFD];
	_ =	sdelay $0x3  }
0x96: {  	_ =	strace s3  }
0x97: {  	_ =	strace $0x8FFFFFFF  }
0x98: {  	s19 =	sld [smem:$0x3FDB];
	_ =	sdelay $0x1  }
0x99: {  	s4 =	simm.s32 $_scs_section_size  }
0x9a: {  	s5 =	simm.s32 $_size__tile_overlayer_lowered;
	s6 =	simm.s32 $_tile_overlayer_lowered  }
0x9b: {  	s22 =	simm.s32 $0x1BFF;
	s21 =	sshll.u32 s6, $0x1;
	s3 =	sadd.s32 s4, s19  }
0x9c: {  	s7 =	simm.s32 $0x0;
	s20 =	sshll.u32 s5, $0x1;
	s5 =	sadd.s32 s21, s3  }
0x9d: {  	[timem:s7], [sflag:s22] =	dma.local [hbm:s5], s20  }
0x9e: {  	_ =	swait.ge [sflag:s22], s20  }
0x9f: {  	s4 =	ssub.s32 $0x0, s20;
	[sflag:s22] =	ssyncset.done $0x0  }
0xa0: {  	[sflag:s22] =	ssyncadd.s32 s4;
	_ =	sdelay $0x1  }
0xa1: {  	s23 =	simm.s32 $0x1B8B  }
0xa2: {  	_ =	swait.ge [sflag:s23], $0x1  }
0xa3: {  	[sflag:s23] =	ssyncset.done $0x0  }
0xa4: {  	s25 =	simm.s32 $0x1B8E;
	s24 =	sld [smem:$0x3FFE];
	[sflag:s23] =	ssyncadd.s32 $0xFFFFFFFF  }
0xa5: {  	s26 =	simm.s32 $execute0_lowered;
	[smem:$0x3FD2] =	sst s25  }
0xa6: {  	s5 =	sshll.u32 s26, $0x1;
	_ =	strace $0x80000046;
	[dreg:$0x1] =	wrdreg $0xFFFFFFFF  }
0xa7: {  	s28 =	simm.s32 $_size_execute0_lowered;
	s3 =	sadd.s32 s3, s5;
	[dreg:$0x0] =	wrdreg $0x0  }
0xa8: {  	s5 =	sshll.u32 s28, $0x1;
	[dreg:$0x2] =	wrdreg s3  }
0xa9: {  	[dreg:$0x3] =	wrdreg s5  }
0xaa: {  	[dreg:$0x4] =	wrdreg $0xC0  }
0xab: {  	_ =	task [dreg:s7], $0x5FFFF  }
0xac: {  	[dreg:$0x1] =	wrdreg $0xFFFFFFFF  }
0xad: {  	[dreg:$0x0] =	wrdreg $0x60  }
0xae: {  	[dreg:$0x2] =	wrdreg s2  }
0xaf: {  	[dreg:$0x3] =	wrdreg s24  }
0xb0: {  	[dreg:$0x4] =	wrdreg $0x9  }
0xb1: {  	_ =	task.clear_ibuf [dreg:s7], $0x5FFFF;
	_ =	strace $0x90000046  }
0xb2: {  	s29 =	simm.s32 $0x9;
	_ =	strace $0x80000048  }
0xb3: {  	_ =	swait.ge [sflag:s29], $0x1  }
0xb4: {  	[sflag:s29] =	ssyncadd.s32 $0xFFFFFFFF  }
0xb5: {  	_ =	strace $0x90000048  }
0xb6: {  	_ =	sfence  }
0xb7: {  	s30 =	sld [smem:$0x0];
	_ =	sdelay $0x2  }
0xb8: {  	s31 =	sshll.u32 s1, $0xD;
	s1 =	sshrl.u32 s1, $0x2  }
0xb9: {  	s3 =	sand.u32 $0x4000, s31;
	s1 =	sadd.s32 s1, s30  }
0xba: {  	s0 =	sor.u32 s3, s0;
	s1 =	sshll.u32 s1, $0x11  }
0xbb: {  	s0 =	sor.u32 s1, s0  }
0xbc: {  	s0 =	sadd.s32 $0x8F2B, s0  }
0xbd: {  	[sflag:s0] =	ssyncadd.remote.s32 $0x1  }
0xbe: {  	_ =	sfence.sel $0xFFFF  }
0xbf: {  	[dreg:$0x0] =	wrdreg $0xFFFFFFFF;
	(pc) =	sbr.abs _section_cstart, $3  }
0xc0: {  	[dreg:$0x1] =	wrdreg $0xFFFFFFFF  }
0xc1: {  	_ =	task.clear_ibuf [dreg:s7], $0x2FFFF;
	_ =	strace $0x9FFFFFFF  }
0xc2: {  	(tm) =	ssettm $0x7FFFFFFF  }
0xc3: {  	_ =	shalt  }
tec
execute0_lowered:
.L_overlay_start_1:
0x0: {  	(tag) =	ssettag $0x1  }
0x1: {  	s1 =	srdreg.scid;
	s3 =	rddreg [dreg:$0x0]  }
0x2: {  	s0 =	stileid.u32;
	s5 =	rddreg [dreg:$0x1]  }
0x3: {  	s16 =	simm.s32 $0x80;
	s17 =	simm.s32 $0x900;
	s18 =	simm.s32 $0xD00  }
0x4: {  	s20 =	simm.s32 $0x1500;
	s21 =	simm.s32 $0x1900;
	s22 =	simm.s32 $0x2100  }
0x5: {  	s23 =	simm.s32 $0x2500;
	s24 =	simm.s32 $0x2D00;
	s1 =	sand.u32 $0x1, s1  }
0x6: {  	s25 =	simm.s32 $0x3100;
	s2 =	sshll.u32 s0, $0x5;
	s4 =	sshll.u32 s1, $0x4  }
0x7: {  	s26 =	simm.s32 $0x3900;
	s4 =	sor.u32 s4, s2;
	s2 =	simm.s32 $0x0  }
0x8: {  	s9 =	simm.s32 $0x1;
	s11 =	simm.s32 $0x4500;
	[smem:$0x7FF] =	sst s2  }
0x9: {  	s12 =	simm.s32 $0x4900;
	_ =	strace $0x80000047;
	[dreg:$0x7] =	wrdreg s16  }
0xa: {  	s13 =	simm.s32 $0x5100;
	s14 =	simm.s32 $0x5500;
	[dreg:$0x8] =	wrdreg s17  }
0xb: {  	s28 =	simm.s32 $0xA900;
	s29 =	simm.s32 $0xB100;
	[dreg:$0x9] =	wrdreg s18  }
0xc: {  	s30 =	simm.s32 $0xB500;
	s1 =	ssub.s32 $0x2, s1;
	[dreg:$0xa] =	wrdreg s20  }
0xd: {  	s31 =	simm.s32 $0xBD00;
	s19 =	sshrl.u32 s1, $0x1;
	[dreg:$0xb] =	wrdreg s21  }
0xe: {  	s6 =	sand.u32 $0xF0, s4;
	s4 =	sadd.s32 s4, s5;
	[dreg:$0xc] =	wrdreg s22  }
0xf: {  	s1 =	ssub.s32 s1, s19;
	s19 =	simm.s32 $0x7900;
	[dreg:$0xd] =	wrdreg s23  }
0x10: {  	s7 =	smul.u32 $0xC00, s6;
	s8 =	sadd.s32 $0x12800, s4;
	[dreg:$0xe] =	wrdreg s24  }
0x11: {  	s6 =	smul.u32 $0x180, s6;
	s4 =	sadd.s32 $0x12808, s4;
	[dreg:$0xf] =	wrdreg s25  }
0x12: {  	[dreg:$0x10] =	wrdreg s26;
	s16 =	simm.s32 $0x6900;
	s17 =	simm.s32 $0x6D00  }
0x13: {  	s18 =	simm.s32 $0x7500;
	s20 =	simm.s32 $0x8100;
	s21 =	simm.s32 $0x8500  }
0x14: {  	s22 =	simm.s32 $0x8D00;
	s23 =	simm.s32 $0x9100;
	s24 =	simm.s32 $0x9900  }
0x15: {  	s25 =	simm.s32 $0x9D00;
	s26 =	simm.s32 $0xA500;
	[dreg:$0x3] =	wrdreg s8  }
0x16: {  	[dreg:$0x4] =	wrdreg s4;
	s4 =	sadd.s32 $0x12D00, s5;
	s7 =	sshrl.u32 s7, $0x3  }
0x17: {  	s8 =	simm.s32 $0x6100;
	s15 =	sadd.s32 s3, s6;
	s3 =	sadd.s32 s3, s7  }
0x18: {  	v2 =	vlaneseq.u32;
	s6 =	simm.s32 $0x3;
	[dreg:$0x5] =	wrdreg s15;
	s3 =	sadd.s32 $0xC00, s3  }
0x19: {  	vm0 =	vmmov $0xffff;
	vm1 =	vmmov $0xff;
	v1 =	vshrl.u32 v2, $0x3;
	s7 =	simm.s32 $0x100;
	s15 =	simm.s32 $0x5D00;
	[dreg:$0x6] =	wrdreg s3  }
0x1a: {  	v0 =	vand.u32 $0x7, v2;
	v2 =	vor.u32 $0x8, v2;
	v1 =	vmul.u32 $0x8, v1;
	s3 =	sadd.s32 $0x12C00, s5;
	s5 =	smax.u32 s1, $0x1;
	s1 =	simm.s32 $0x2  }
.LBB2_1:
0x1b: {  	s0 =	rddreg [dreg:$0x3]  }
0x1c: {  	[tilespmem:s2], [sflag:$0x3] =	stream.linear.gather [hbm4b:s0+s2], $0x40, $0x38;
	[tilespmem:$0xC100] =	vst v63  }
0x1d: {  	_ =	swait.ge [sflag:s6], $0x40  }
0x1e: {  	s0 =	rddreg [dreg:$0x4];
	[sflag:s6] =	ssyncset.done $0x0  }
0x1f: {  	s10 =	rddreg [dreg:$0x7];
	[sflag:s6] =	ssyncadd.s32 $0xFFFFFFC0  }
0x20: {  	[tilespmem:s10], [sflag:$0x3] =	stream.linear.gather [hbm4b:s0+s2], $0x40, $0x38;
	[tilespmem:$0xC100] =	vst v63  }
0x21: {  	_ =	swait.ge [sflag:s6], $0x40  }
0x22: {  	[sflag:s6] =	ssyncset.done $0x0  }
0x23: {  	s0 =	rddreg [dreg:$0x5];
	[sflag:s6] =	ssyncadd.s32 $0xFFFFFFC0  }
0x24: {  	[tilespmem:s7], [sflag:$0x1] =	stream.linear.gather [hbm4b:s0+s2], $0x6000, $0x38;
	[tilespmem:$0xC100] =	vst v63  }
0x25: {  	s10 =	rddreg [dreg:$0x6]  }
0x26: {  	[tilespmem:s8], [sflag:$0x1] =	stream.linear.gather [hbm4b:s10+s2], $0x6000, $0x38;
	[tilespmem:$0xC100] =	vst v63  }
0x27: {  	_ =	swait.ge [sflag:s9], $0x6000  }
0x28: {  	[sflag:s9] =	ssyncset.done $0x0  }
0x29: {  	[sflag:s9] =	ssyncadd.s32 $0xFFFFA000  }
0x2a: {  	v3 =	vld [tilespmem:$0x0];
	_ =	sdelay $0x4  }
0x2b: {  	v4 =	vshrl.u32 v3, $0x3  }
0x2c: {  	v4 =	vmul.u32 $0x18, v4  }
0x2d: {  	v3 =	vand.u32 $0x7, v3  }
0x2e: {  	v3 =	vor.u32 v3, v4  }
0x2f: {  	v4 =	vperm.xlane v3, v0;
	_ =	sdelay $0x1  }
0x30: {  	v4 =	vadd.s32 v1, v4;
	_ =	sdelay $0x1  }
0x31: {  	v3 =	vperm.xlane v3, v2;
	_ =	sdelay $0x1  }
0x32: {  	v3 =	vadd.s32 v1, v3  }
0x33: {  	[hbm4b:s3+s2] =	stream.indirect_vreg.scatter [tilespmem:s7], [sflag:$0x2], $0x80, v4, vm0, $0xb8;
	[tilespmem:$0xC100] =	vst v63  }
0x34: {  	s0 =	rddreg [dreg:$0x8]  }
0x35: {  	[hbm4b:s4+s2] =	stream.indirect_vreg.scatter [tilespmem:s0], [sflag:$0x2], $0x80, v4, vm1, $0xb8;
	[tilespmem:$0xC100] =	vst v63  }
0x36: {  	s10 =	rddreg [dreg:$0x9]  }
0x37: {  	[hbm4b:s3+s2] =	stream.indirect_vreg.scatter [tilespmem:s10], [sflag:$0x2], $0x80, v3, vm0, $0xb8;
	[tilespmem:$0xC100] =	vst v63  }
0x38: {  	s0 =	rddreg [dreg:$0xa]  }
0x39: {  	[hbm4b:s4+s2] =	stream.indirect_vreg.scatter [tilespmem:s0], [sflag:$0x2], $0x80, v3, vm1, $0xb8;
	[tilespmem:$0xC100] =	vst v63  }
0x3a: {  	v3 =	vld [tilespmem:$0x10];
	_ =	sdelay $0x4  }
0x3b: {  	v57 =	vshrl.u32 v3, $0x3  }
0x3c: {  	v4 =	vmul.u32 $0x18, v57  }
0x3d: {  	v3 =	vand.u32 $0x7, v3  }
0x3e: {  	v3 =	vor.u32 v3, v4  }
0x3f: {  	v4 =	vperm.xlane v3, v0;
	_ =	sdelay $0x1  }
0x40: {  	v4 =	vadd.s32 v1, v4;
	_ =	sdelay $0x1  }
0x41: {  	v3 =	vperm.xlane v3, v2;
	_ =	sdelay $0x1  }
0x42: {  	s0 =	rddreg [dreg:$0xb];
	v3 =	vadd.s32 v1, v3  }
0x43: {  	[hbm4b:s3+s2] =	stream.indirect_vreg.scatter [tilespmem:s0], [sflag:$0x2], $0x80, v4, vm0, $0xb8;
	[tilespmem:$0xC100] =	vst v63  }
0x44: {  	s10 =	rddreg [dreg:$0xc]  }
0x45: {  	[hbm4b:s4+s2] =	stream.indirect_vreg.scatter [tilespmem:s10], [sflag:$0x2], $0x80, v4, vm1, $0xb8;
	[tilespmem:$0xC100] =	vst v63  }
0x46: {  	s0 =	rddreg [dreg:$0xd]  }
0x47: {  	[hbm4b:s3+s2] =	stream.indirect_vreg.scatter [tilespmem:s0], [sflag:$0x2], $0x80, v3, vm0, $0xb8;
	[tilespmem:$0xC100] =	vst v63  }
0x48: {  	s10 =	rddreg [dreg:$0xe]  }
0x49: {  	[hbm4b:s4+s2] =	stream.indirect_vreg.scatter [tilespmem:s10], [sflag:$0x2], $0x80, v3, vm1, $0xb8;
	[tilespmem:$0xC100] =	vst v63  }
0x4a: {  	v3 =	vld [tilespmem:$0x20];
	_ =	sdelay $0x4  }
0x4b: {  	v58 =	vshrl.u32 v3, $0x3  }
0x4c: {  	v4 =	vmul.u32 $0x18, v58  }
0x4d: {  	v3 =	vand.u32 $0x7, v3  }
0x4e: {  	v3 =	vor.u32 v3, v4  }
0x4f: {  	v4 =	vperm.xlane v3, v0;
	_ =	sdelay $0x1  }
0x50: {  	v4 =	vadd.s32 v1, v4;
	_ =	sdelay $0x1  }
0x51: {  	v3 =	vperm.xlane v3, v2;
	_ =	sdelay $0x1  }
0x52: {  	s0 =	rddreg [dreg:$0xf];
	v3 =	vadd.s32 v1, v3  }
0x53: {  	[hbm4b:s3+s2] =	stream.indirect_vreg.scatter [tilespmem:s0], [sflag:$0x2], $0x80, v4, vm0, $0xb8;
	[tilespmem:$0xC100] =	vst v63  }
0x54: {  	s10 =	rddreg [dreg:$0x10]  }
0x55: {  	[hbm4b:s4+s2] =	stream.indirect_vreg.scatter [tilespmem:s10], [sflag:$0x2], $0x80, v4, vm1, $0xb8;
	[tilespmem:$0xC100] =	vst v63  }
0x56: {  	s10 =	simm.s32 $0x3D00  }
0x57: {  	[hbm4b:s3+s2] =	stream.indirect_vreg.scatter [tilespmem:s10], [sflag:$0x2], $0x80, v3, vm0, $0xb8;
	[tilespmem:$0xC100] =	vst v63  }
0x58: {  	_ = 	snop  }
0x59: {  	[hbm4b:s4+s2] =	stream.indirect_vreg.scatter [tilespmem:s11], [sflag:$0x2], $0x80, v3, vm1, $0xb8;
	[tilespmem:$0xC100] =	vst v63  }
0x5a: {  	v3 =	vld [tilespmem:$0x30];
	_ =	sdelay $0x4  }
0x5b: {  	v59 =	vshrl.u32 v3, $0x3  }
0x5c: {  	v4 =	vmul.u32 $0x18, v59  }
0x5d: {  	v3 =	vand.u32 $0x7, v3  }
0x5e: {  	v3 =	vor.u32 v3, v4  }
0x5f: {  	v4 =	vperm.xlane v3, v0;
	_ =	sdelay $0x1  }
0x60: {  	v4 =	vadd.s32 v1, v4;
	_ =	sdelay $0x1  }
0x61: {  	v3 =	vperm.xlane v3, v2;
	_ =	sdelay $0x1  }
0x62: {  	v3 =	vadd.s32 v1, v3  }
0x63: {  	[hbm4b:s3+s2] =	stream.indirect_vreg.scatter [tilespmem:s12], [sflag:$0x2], $0x80, v4, vm0, $0xb8;
	[tilespmem:$0xC100] =	vst v63  }
0x64: {  	_ = 	snop  }
0x65: {  	[hbm4b:s4+s2] =	stream.indirect_vreg.scatter [tilespmem:s13], [sflag:$0x2], $0x80, v4, vm1, $0xb8;
	[tilespmem:$0xC100] =	vst v63  }
0x66: {  	_ = 	snop  }
0x67: {  	[hbm4b:s3+s2] =	stream.indirect_vreg.scatter [tilespmem:s14], [sflag:$0x2], $0x80, v3, vm0, $0xb8;
	[tilespmem:$0xC100] =	vst v63  }
0x68: {  	_ = 	snop  }
0x69: {  	[hbm4b:s4+s2] =	stream.indirect_vreg.scatter [tilespmem:s15], [sflag:$0x2], $0x80, v3, vm1, $0xb8;
	[tilespmem:$0xC100] =	vst v63  }
0x6a: {  	_ =	swait.ge [sflag:s9], $0x6000  }
0x6b: {  	[sflag:s9] =	ssyncset.done $0x0  }
0x6c: {  	[sflag:s9] =	ssyncadd.s32 $0xFFFFA000  }
0x6d: {  	v3 =	vld [tilespmem:$0x80];
	_ =	sdelay $0x4  }
0x6e: {  	v60 =	vshrl.u32 v3, $0x3  }
0x6f: {  	v4 =	vmul.u32 $0x18, v60  }
0x70: {  	v3 =	vand.u32 $0x7, v3  }
0x71: {  	v3 =	vor.u32 v3, v4  }
0x72: {  	v4 =	vperm.xlane v3, v0;
	_ =	sdelay $0x1  }
0x73: {  	v4 =	vadd.s32 v1, v4;
	_ =	sdelay $0x1  }
0x74: {  	v3 =	vperm.xlane v3, v2;
	_ =	sdelay $0x1  }
0x75: {  	v3 =	vadd.s32 v1, v3  }
0x76: {  	[hbm4b:s3+s2] =	stream.indirect_vreg.scatter [tilespmem:s8], [sflag:$0x2], $0x80, v4, vm0, $0xb8;
	[tilespmem:$0xC100] =	vst v63  }
0x77: {  	_ = 	snop  }
0x78: {  	[hbm4b:s4+s2] =	stream.indirect_vreg.scatter [tilespmem:s16], [sflag:$0x2], $0x80, v4, vm1, $0xb8;
	[tilespmem:$0xC100] =	vst v63  }
0x79: {  	_ = 	snop  }
0x7a: {  	[hbm4b:s3+s2] =	stream.indirect_vreg.scatter [tilespmem:s17], [sflag:$0x2], $0x80, v3, vm0, $0xb8;
	[tilespmem:$0xC100] =	vst v63  }
0x7b: {  	_ = 	snop  }
0x7c: {  	[hbm4b:s4+s2] =	stream.indirect_vreg.scatter [tilespmem:s18], [sflag:$0x2], $0x80, v3, vm1, $0xb8;
	[tilespmem:$0xC100] =	vst v63  }
0x7d: {  	v3 =	vld [tilespmem:$0x90];
	_ =	sdelay $0x4  }
0x7e: {  	v61 =	vshrl.u32 v3, $0x3  }
0x7f: {  	v4 =	vmul.u32 $0x18, v61  }
0x80: {  	v3 =	vand.u32 $0x7, v3  }
0x81: {  	v3 =	vor.u32 v3, v4  }
0x82: {  	v4 =	vperm.xlane v3, v0;
	_ =	sdelay $0x1  }
0x83: {  	v4 =	vadd.s32 v1, v4;
	_ =	sdelay $0x1  }
0x84: {  	v3 =	vperm.xlane v3, v2;
	_ =	sdelay $0x1  }
0x85: {  	v3 =	vadd.s32 v1, v3  }
0x86: {  	[hbm4b:s3+s2] =	stream.indirect_vreg.scatter [tilespmem:s19], [sflag:$0x2], $0x80, v4, vm0, $0xb8;
	[tilespmem:$0xC100] =	vst v63  }
0x87: {  	_ = 	snop  }
0x88: {  	[hbm4b:s4+s2] =	stream.indirect_vreg.scatter [tilespmem:s20], [sflag:$0x2], $0x80, v4, vm1, $0xb8;
	[tilespmem:$0xC100] =	vst v63  }
0x89: {  	_ = 	snop  }
0x8a: {  	[hbm4b:s3+s2] =	stream.indirect_vreg.scatter [tilespmem:s21], [sflag:$0x2], $0x80, v3, vm0, $0xb8;
	[tilespmem:$0xC100] =	vst v63  }
0x8b: {  	_ = 	snop  }
0x8c: {  	[hbm4b:s4+s2] =	stream.indirect_vreg.scatter [tilespmem:s22], [sflag:$0x2], $0x80, v3, vm1, $0xb8;
	[tilespmem:$0xC100] =	vst v63  }
0x8d: {  	v3 =	vld [tilespmem:$0xA0];
	_ =	sdelay $0x4  }
0x8e: {  	v62 =	vshrl.u32 v3, $0x3  }
0x8f: {  	v4 =	vmul.u32 $0x18, v62  }
0x90: {  	v3 =	vand.u32 $0x7, v3  }
0x91: {  	v3 =	vor.u32 v3, v4  }
0x92: {  	v4 =	vperm.xlane v3, v0;
	_ =	sdelay $0x1  }
0x93: {  	v4 =	vadd.s32 v1, v4;
	_ =	sdelay $0x1  }
0x94: {  	v3 =	vperm.xlane v3, v2;
	_ =	sdelay $0x1  }
0x95: {  	v3 =	vadd.s32 v1, v3  }
0x96: {  	[hbm4b:s3+s2] =	stream.indirect_vreg.scatter [tilespmem:s23], [sflag:$0x2], $0x80, v4, vm0, $0xb8;
	[tilespmem:$0xC100] =	vst v63  }
0x97: {  	_ = 	snop  }
0x98: {  	[hbm4b:s4+s2] =	stream.indirect_vreg.scatter [tilespmem:s24], [sflag:$0x2], $0x80, v4, vm1, $0xb8;
	[tilespmem:$0xC100] =	vst v63  }
0x99: {  	_ = 	snop  }
0x9a: {  	[hbm4b:s3+s2] =	stream.indirect_vreg.scatter [tilespmem:s25], [sflag:$0x2], $0x80, v3, vm0, $0xb8;
	[tilespmem:$0xC100] =	vst v63  }
0x9b: {  	_ = 	snop  }
0x9c: {  	[hbm4b:s4+s2] =	stream.indirect_vreg.scatter [tilespmem:s26], [sflag:$0x2], $0x80, v3, vm1, $0xb8;
	[tilespmem:$0xC100] =	vst v63  }
0x9d: {  	v3 =	vld [tilespmem:$0xB0];
	_ =	sdelay $0x4  }
0x9e: {  	v63 =	vshrl.u32 v3, $0x3  }
0x9f: {  	v4 =	vmul.u32 $0x18, v63  }
0xa0: {  	v3 =	vand.u32 $0x7, v3  }
0xa1: {  	v3 =	vor.u32 v3, v4  }
0xa2: {  	v4 =	vperm.xlane v3, v0;
	_ =	sdelay $0x1  }
0xa3: {  	v4 =	vadd.s32 v1, v4;
	_ =	sdelay $0x1  }
0xa4: {  	v3 =	vperm.xlane v3, v2;
	_ =	sdelay $0x1  }
0xa5: {  	v3 =	vadd.s32 v1, v3  }
0xa6: {  	[hbm4b:s3+s2] =	stream.indirect_vreg.scatter [tilespmem:s28], [sflag:$0x2], $0x80, v4, vm0, $0xb8;
	[tilespmem:$0xC100] =	vst v63  }
0xa7: {  	_ = 	snop  }
0xa8: {  	[hbm4b:s4+s2] =	stream.indirect_vreg.scatter [tilespmem:s29], [sflag:$0x2], $0x80, v4, vm1, $0xb8;
	[tilespmem:$0xC100] =	vst v63  }
0xa9: {  	_ = 	snop  }
0xaa: {  	[hbm4b:s3+s2] =	stream.indirect_vreg.scatter [tilespmem:s30], [sflag:$0x2], $0x80, v3, vm0, $0xb8;
	[tilespmem:$0xC100] =	vst v63  }
0xab: {  	_ = 	snop  }
0xac: {  	[hbm4b:s4+s2] =	stream.indirect_vreg.scatter [tilespmem:s31], [sflag:$0x2], $0x80, v3, vm1, $0xb8;
	[tilespmem:$0xC100] =	vst v63  }
0xad: {  	p0 =	sne.s32 s5, $0x1;
	_ =	swait.ge [sflag:s1], $0x6000  }
.Ltmp0:
0xae: {  	[sflag:s1] =	ssyncset.done $0x0;
	(pc) =	sbr.rel @p0 .LBB2_1-.Ltmp0, $4  }
0xaf: {  	[sflag:s1] =	ssyncadd.s32 $0xFFFFA000  }
0xb0: {  	_ =	swait.ge [sflag:s1], $0x6000  }
0xb1: {  	[sflag:s1] =	ssyncset.done $0x0  }
0xb2: {  	s5 =	sadd.s32 $0xFFFFFFFF, s5;
	[sflag:s1] =	ssyncadd.s32 $0xFFFFA000  }
0xb3: {  	_ =	sfence.sel $0x180000  }
0xb4: {  	[bflag:$0x0] =	sbarrier.arrive $0xFFFF  }
0xb5: {  	_ =	strace $0x90000047  }
0xb6: {  	s0 =	stileid.u32;
	[bflag:$0x2] =	sbarrier.arrive $0xFFFF  }
0xb7: {  	p0 =	sne.s32 s0, $0x0;
	s0 =	rddreg [dreg:$0x2]  }
0xb8: {  	s0 =	sadd.s32 @!p0 $0x100000, s0  }
0xb9: {  	[sflag:s0] =	ssyncadd.tile.s32 @!p0 $0x1;
	_ =	shalt  }
.Lfunc_end2:
_tile_overlayer_lowered:
.L_overlay_start_2:
0xba: {  	(tag) =	ssettag $0x2  }
0xbb: {  	s0 =	rddreg [dreg:$0x0];
	s2 =	stileid.u32  }
0xbc: {  	s1 =	rddreg [dreg:$0x1];
	p0 =	sne.s32 s2, $0x0  }
0xbd: {  	s3 =	rddreg [dreg:$0x2];
	[bflag:$0x3] =	sbarrier.arrive $0xFFFF;
	s2 =	simm.s32 @!p0 $0x1C03  }
0xbe: {  	[timem:s3], [sflag:s2] =	dma.local @!p0 [hbm:s0], s1  }
0xbf: {  	s0 =	simm.s32 @!p0 $0x3  }
0xc0: {  	_ =	swait.ge @!p0 [sflag:s0], s1  }
0xc1: {  	s1 =	ssub.s32 @!p0 $0x0, s1;
	[sflag:s0] =	ssyncset.done @!p0 $0x0  }
0xc2: {  	[sflag:s0] =	ssyncadd.s32 @!p0 s1  }
0xc3: {  	[bflag:$0x3] =	sbarrier.arrive $0xFFFF  }
0xc4: {  	_ =	shalt  }

// kernel: sparse-core-data-format-call.cloned.1.call-start
scs
called_computation_lowered:
.L_overlay_start_0:
0x0: {  	s1 =	sld [smem:$0x3FD9]  }
0x1: {  	s2 =	sld [smem:$0x3FFE];
	_ =	sdelay $0x1  }
0x2: {  	s3 =	srdreg.scid  }
0x3: {  	s0 =	sand.u32 $0x1, s3  }
0x4: {  	s17 =	sshll.u32 s0, $0xA;
	s1 =	sadd.s32 s2, s1  }
0x5: {  	s1 =	sadd.s32 s1, s17  }
0x6: {  	[smem:$0x3FC0] =	sst s1  }
0x7: {  	_ = 	snop  }
0x8: {  	(tm) =	ssettm $0x1  }
0x9: {  	s18 =	sld [smem:$0x3FFB];
	_ =	sdelay $0x3  }
0xa: {  	_ =	strace s18  }
0xb: {  	s1 =	sld [smem:$0x3FFC];
	_ =	sdelay $0x3  }
0xc: {  	_ =	strace s1  }
0xd: {  	s1 =	sld [smem:$0x3FFD];
	_ =	sdelay $0x3  }
0xe: {  	_ =	strace s1  }
0xf: {  	_ =	strace $0x8FFFFFFF  }
0x10: {  	s19 =	sld [smem:$0x3FDB];
	_ =	sdelay $0x1  }
0x11: {  	s20 =	simm.s32 $_scs_section_size  }
0x12: {  	s4 =	simm.s32 $_size__tile_overlayer_lowered;
	s5 =	simm.s32 $_tile_overlayer_lowered  }
0x13: {  	s23 =	simm.s32 $0x1BFF;
	s22 =	sshll.u32 s5, $0x1;
	s1 =	sadd.s32 s20, s19  }
0x14: {  	s6 =	simm.s32 $0x0;
	s21 =	sshll.u32 s4, $0x1;
	s4 =	sadd.s32 s22, s1  }
0x15: {  	[timem:s6], [sflag:s23] =	dma.local [hbm:s4], s21  }
0x16: {  	_ =	swait.ge [sflag:s23], s21  }
0x17: {  	s2 =	ssub.s32 $0x0, s21;
	[sflag:s23] =	ssyncset.done $0x0  }
0x18: {  	[sflag:s23] =	ssyncadd.s32 s2;
	_ =	sdelay $0x1  }
0x19: {  	s24 =	simm.s32 $0x1B8B  }
0x1a: {  	_ =	swait.ge [sflag:s24], $0x1  }
0x1b: {  	[sflag:s24] =	ssyncset.done $0x0  }
0x1c: {  	s26 =	simm.s32 $0x1B8E;
	s25 =	sld [smem:$0x3FFE];
	[sflag:s24] =	ssyncadd.s32 $0xFFFFFFFF  }
0x1d: {  	s27 =	simm.s32 $execute0_lowered;
	[smem:$0x3FD2] =	sst s26  }
0x1e: {  	s4 =	sshll.u32 s27, $0x1;
	_ =	strace $0x80000049;
	[dreg:$0x1] =	wrdreg $0xFFFFFFFF  }
0x1f: {  	s28 =	simm.s32 $_size_execute0_lowered;
	s1 =	sadd.s32 s1, s4;
	[dreg:$0x0] =	wrdreg $0x0  }
0x20: {  	s4 =	sshll.u32 s28, $0x1;
	[dreg:$0x2] =	wrdreg s1  }
0x21: {  	[dreg:$0x3] =	wrdreg s4  }
0x22: {  	[dreg:$0x4] =	wrdreg $0xC0  }
0x23: {  	_ =	task [dreg:s6], $0x5FFFF  }
0x24: {  	[dreg:$0x1] =	wrdreg $0xFFFFFFFF  }
0x25: {  	[dreg:$0x0] =	wrdreg $0x60  }
0x26: {  	[dreg:$0x2] =	wrdreg s25  }
0x27: {  	[dreg:$0x3] =	wrdreg $0x9  }
0x28: {  	_ =	task.clear_ibuf [dreg:s6], $0x4FFFF;
	_ =	strace $0x90000049  }
0x29: {  	s29 =	simm.s32 $0x9;
	_ =	strace $0x8000004B  }
0x2a: {  	_ =	swait.ge [sflag:s29], $0x1  }
0x2b: {  	[sflag:s29] =	ssyncadd.s32 $0xFFFFFFFF  }
0x2c: {  	_ =	strace $0x9000004B  }
0x2d: {  	_ =	sfence  }
0x2e: {  	s30 =	sld [smem:$0x0];
	_ =	sdelay $0x2  }
0x2f: {  	s31 =	sshll.u32 s3, $0xD;
	s3 =	sshrl.u32 s3, $0x2  }
0x30: {  	s2 =	sand.u32 $0x4000, s31;
	s1 =	sadd.s32 s3, s30  }
0x31: {  	s0 =	sor.u32 s2, s0;
	s1 =	sshll.u32 s1, $0x11  }
0x32: {  	s0 =	sor.u32 s1, s0  }
0x33: {  	s0 =	sadd.s32 $0x8F2B, s0  }
0x34: {  	[sflag:s0] =	ssyncadd.remote.s32 $0x1  }
0x35: {  	_ =	sfence.sel $0xFFFF  }
0x36: {  	[dreg:$0x0] =	wrdreg $0xFFFFFFFF;
	(pc) =	sbr.abs _section_cstart, $3  }
0x37: {  	[dreg:$0x1] =	wrdreg $0xFFFFFFFF  }
0x38: {  	_ =	task.clear_ibuf [dreg:s6], $0x2FFFF;
	_ =	strace $0x9FFFFFFF  }
0x39: {  	(tm) =	ssettm $0x7FFFFFFF  }
tec
execute0_lowered:
.L_overlay_start_1:
0x0: {  	(tag) =	ssettag $0x1  }
0x1: {  	s0 =	srdreg.scid  }
0x2: {  	s1 =	sshll.u32 s0, $0x4  }
0x3: {  	s0 =	stileid.u32;
	s1 =	sand.u32 $0x10, s1  }
0x4: {  	s1 =	sor.u32 s0, s1  }
0x5: {  	s6 =	rddreg [dreg:$0x0];
	s7 =	simm.s32 $0x2;
	s2 =	sshll.u32 s1, $0x7  }
0x6: {  	s13 =	simm.s32 $0x0;
	s8 =	simm.s32 $0x1800;
	s1 =	ssub.s32 $0x3000, s2  }
0x7: {  	s12 =	simm.s32 $0x0;
	s10 =	simm.s32 $0x0;
	s3 =	sand.u32 $0xF80, s1  }
0x8: {  	s11 =	simm.s32 $0x0;
	p0 =	sne.s32 s3, $0x0;
	s3 =	simm.s32 $0x1  }
.Ltmp0:
0x9: {  	s4 =	sshrl.u32 s1, $0xC;
	s3 =	simm.s32 @!p0 $0x0;
	(pc) =	sbr.rel .LBB1_1-.Ltmp0, $4  }
0xa: {  	s5 =	sadd.s32 $0x132C00, s6;
	s1 =	rddreg [dreg:$0x1];
	s4 =	sadd.s32 s3, s4  }
0xb: {  	_ =	strace $0x8000004A;
	s3 =	simm.s32 $0x1;
	s4 =	smul.u32 $0x6, s4  }
0xc: {  	s6 =	sadd.s32 $0x12C00, s6;
	s9 =	smov.u32 s2;
	[sflag:s3] =	ssyncpa.u1 $0x0  }
0xd: {  	p0 =	por $0x0, $0x0;
	[sflag:s7] =	ssyncpa.u1 $0x0;
	s7 =	sor.u32 $0x1, s4  }
.LBB1_4:
0xe: {  	s19 =	sshrl.u32 s13, $0x3  }
0xf: {  	s20 =	sshll.u32 s12, $0x3;
	s19 =	smul.u32 $0x1800, s19  }
0x10: {  	s24 =	sshll.u32 s13, $0x7;
	s20 =	sand.u32 $0xFFFFFC00, s20  }
0x11: {  	s13 =	sand.u32 $0x380, s24;
	s19 =	sadd.s32 s20, s19  }
0x12: {  	s13 =	sor.u32 s13, s19  }
0x13: {  	v5 =	vld [tilespmem:s16+$0xFFFFFFD0];
	[tilespmem:s17+$0x2040 ss:$0x81] =	vst.msk $0xffff, v4;
	s25 =	sand.u32 $0x7F, s12;
	s19 =	smulhi.u32 $0xAAAAAAAB, s13  }
0x14: {  	v58 =	vld [tilespmem:s16+$0xFFFFFFE0];
	[tilespmem:s17+$0x2850 ss:$0x81] =	vst.msk $0xffff, v3;
	s12 =	sor.u32 s25, s13  }
0x15: {  	s26 =	sshra.s32 s18, $0x2;
	v59 =	vld [tilespmem:s16+$0xFFFFFFF0];
	[tilespmem:s17+$0x3060 ss:$0x81] =	vst.msk $0xffff, v2;
	s27 =	smulhi.u32 $0xAAAAAAAB, s12;
	s19 =	sshrl.u32 s19, $0x9  }
0x16: {  	v60 =	vld [tilespmem:s16+$0x0];
	[tilespmem:s17+$0x0 ss:$0x81] =	vst.msk $0xffff, v0;
	s13 =	sadd.s32 s26, s15;
	s28 =	smulhi.u32 $0x2AAAAB, s19  }
0x17: {  	v61 =	vld [tilespmem:s16+$0x10];
	[tilespmem:s13+$0x3870 ss:$0x81] =	vst.msk $0xffff, v1;
	s29 =	sshrl.u32 s27, $0x9  }
0x18: {  	v62 =	vld [tilespmem:s16+$0x20];
	[tilespmem:s13+$0x810 ss:$0x81] =	vst.msk $0xffff, v5;
	s17 =	smul.u32 $0x300, s29;
	s15 =	sshrl.u32 s28, $0x3  }
0x19: {  	v63 =	vld [tilespmem:s16+$0xFFFFFFC0];
	[tilespmem:s13+$0x1020 ss:$0x81] =	vst.msk $0xffff, v58;
	s15 =	smul.u32 $0x3000, s15  }
0x1a: {  	[tilespmem:s13+$0x1830 ss:$0x81] =	vst.msk $0xffff, v59  }
0x1b: {  	[tilespmem:s13+$0x2040 ss:$0x81] =	vst.msk $0xffff, v60;
	s12 =	ssub.s32 s12, s17;
	s15 =	ssub.s32 s19, s15  }
0x1c: {  	[tilespmem:s13+$0x2850 ss:$0x81] =	vst.msk $0xffff, v61;
	s30 =	sshrl.u32 s12, $0x3;
	s12 =	sand.u32 $0x7, s12;
	s15 =	smul.u32 $0x60, s15  }
0x1d: {  	[tilespmem:s13+$0x3060 ss:$0x81] =	vst.msk $0xffff, v62;
	s16 =	sadd.s32 s6, s30;
	s12 =	sshll.u32 s12, $0x12  }
0x1e: {  	[tilespmem:s13+$0x0 ss:$0x81] =	vst.msk $0xffff, v63;
	s12 =	sor.u32 $0x400, s12;
	s31 =	sadd.s32 s15, s16  }
0x1f: {  	[hbm4b:s31+s12] =	stream.strided.scatter [tilespmem:s14], [sflag:$0x2], $0x4000, s8, s12, $0x20;
	[tilespmem:$0x10100] =	vst v63  }
.LBB1_5:
0x20: {  	s14 =	sadd.s32 $0x1000, s9  }
0x21: {  	s12 =	sadd.s32 $0x80, s10;
	s16 =	smov.u32 s10;
	p2 =	sgt.s32 s14, $0x2FFF  }
0x22: {  	s16 =	smov.u32 @p2 s12  }
0x23: {  	s14 =	smov.u32 @p2 s2;
	p2 =	sgt.s32 s16, $0x2FF  }
0x24: {  	s16 =	simm.s32 @p2 $0x0;
	p2 =	sne.s32 s11, s7  }
.Ltmp1:
0x25: {  	p1 =	slt.u32 s11, $0x2;
	(pc) =	sbr.rel @!p2 .LBB1_6-.Ltmp1, $4  }
0x26: {  	s15 =	simm.s32 @!p1 $0x2  }
0x27: {  	s13 =	smov.u32 s9;
	p0 =	por !p0, !p0;
	_ =	swait.ge @!p1 [sflag:s15], $0x4000  }
0x28: {  	s12 =	smov.u32 s10;
	[sflag:s15] =	ssyncset.done @!p1 $0x0;
	s9 =	smov.u32 s14  }
0x29: {  	s11 =	sadd.s32 $0x1, s11;
	[sflag:s15] =	ssyncadd.s32 @!p1 $0xFFFFC000;
	s10 =	smov.u32 s16  }
.LBB1_1:
0x2a: {  	p1 =	sge.u32 s11, s4  }
0x2b: {  	s14 =	sshrl.u32 @!p1 s10, $0x3  }
0x2c: {  	s15 =	sshll.u32 @!p1 s9, $0x3;
	s16 =	sshll.u32 @!p1 s10, $0x7;
	s14 =	smul.u32 @!p1 $0x18000, s14  }
0x2d: {  	s17 =	sand.u32 @!p1 $0x7F, s9;
	s15 =	sand.u32 @!p1 $0xFFFFFC00, s15;
	s16 =	sand.u32 @!p1 $0x380, s16  }
0x2e: {  	s14 =	sadd.s32 @!p1 s14, s15;
	s15 =	sor.u32 @!p1 s17, s16  }
0x2f: {  	s15 =	sor.u32 @!p1 s14, s15;
	s14 =	smulhi.u32 @!p1 $0xAAAAAAAB, s14  }
0x30: {  	s16 =	smulhi.u32 @!p1 $0xAAAAAAAB, s15  }
0x31: {  	s14 =	sshrl.u32 @!p1 s14, $0xD  }
0x32: {  	s16 =	sshrl.u32 @!p1 s16, $0xD;
	s17 =	smulhi.u32 @!p1 $0x555556, s14  }
0x33: {  	s16 =	smul.u32 @!p1 $0x3000, s16  }
0x34: {  	s17 =	smul.u32 @!p1 $0x300, s17  }
0x35: {  	s31 =	sadd.s32 $0xFFFFFFFF, s11;
	s18 =	sxor.u32 @!p1 $0xFFFFFFFF, s11  }
0x36: {  	s15 =	ssub.s32 @!p1 s15, s16;
	s16 =	sshll.u32 @!p1 s18, $0xE;
	s14 =	ssub.s32 @!p1 s14, s17  }
0x37: {  	s17 =	sshrl.u32 @!p1 s15, $0x3;
	s15 =	sand.u32 @!p1 $0x7, s15;
	s14 =	smul.u32 @!p1 $0x600, s14  }
0x38: {  	s16 =	sand.u32 @!p1 $0x4000, s16;
	s17 =	sadd.s32 @!p1 s5, s17;
	s15 =	sshll.u32 @!p1 s15, $0x12  }
0x39: {  	s15 =	sor.u32 @!p1 $0x400, s15;
	s14 =	sadd.s32 @!p1 s14, s17;
	s17 =	simm.s32 @!p1 $0x18000  }
0x3a: {  	[tilespmem:s16], [sflag:$0x1] =	stream.strided.gather @!p1 [hbm4b:s14+s15], $0x4000, s17, s15, $0x38;
	[tilespmem:$0x10100] =	vst v63  }
0x3b: {  	p1 =	sge.u32 s31, s4  }
.Ltmp2:
0x3c: {  	_ = 	snop;
	(pc) =	sbr.rel @p1 .LBB1_5-.Ltmp2, $1  }
0x3d: {  	_ =	sdelay $0x3  }
0x3e: {  	s14 =	simm.s32 $0x1  }
0x3f: {  	_ =	swait.ge [sflag:s3], $0x4000;
	s14 =	simm.s32 @!p0 $0x0  }
0x40: {  	[sflag:s3] =	ssyncset.done $0x0;
	s15 =	sshll.u32 s14, $0xE  }
0x41: {  	[sflag:s3] =	ssyncadd.s32 $0xFFFFC000;
	s16 =	sor.u32 $0x40, s15  }
0x42: {  	s14 =	smul.u32 $0x10200, s14;
	v0 =	vld [tilespmem:s16+$0x30]  }
0x43: {  	v1 =	vld [tilespmem:s16+$0xFFFFFFD0]  }
0x44: {  	s14 =	sshrl.u32 s14, $0x2;
	v5 =	vld [tilespmem:s16+$0xFFFFFFE0]  }
0x45: {  	v6 =	vld [tilespmem:s16+$0xFFFFFFF0];
	s15 =	sor.u32 $0x8000, s14  }
0x46: {  	s31 =	sand.u32 $0x1, s11;
	v4 =	vld [tilespmem:s16+$0x0];
	s17 =	sadd.s32 $0x0, s15  }
0x47: {  	v3 =	vld [tilespmem:s16+$0x10];
	s14 =	smul.u32 $0x10200, s31;
	[tilespmem:s17+$0x3870 ss:$0x81] =	vst.msk $0xffff, v0  }
0x48: {  	v2 =	vld [tilespmem:s16+$0x20];
	[tilespmem:s17+$0x810 ss:$0x81] =	vst.msk $0xffff, v1  }
0x49: {  	s14 =	sshrl.u32 s14, $0x2;
	v0 =	vld [tilespmem:s16+$0xFFFFFFC0];
	[tilespmem:s17+$0x1020 ss:$0x81] =	vst.msk $0xffff, v5;
	s16 =	sadd.s32 $0x80, s16  }
0x4a: {  	s18 =	simm.s32 $0x4;
	s19 =	simm.s32 $0x8;
	s14 =	sor.u32 $0x8000, s14;
	[tilespmem:s17+$0x1830 ss:$0x81] =	vst.msk $0xffff, v6;
	v1 =	vld [tilespmem:s16+$0x30]  }
.LBB1_3:
0x4b: {  	p1 =	sne.s32 s19, $0x1FC;
	v5 =	vld [tilespmem:s16+$0xFFFFFFD0];
	[tilespmem:s17+$0x2040 ss:$0x81] =	vst.msk $0xffff, v4  }
0x4c: {  	v6 =	vld [tilespmem:s16+$0xFFFFFFE0];
	[tilespmem:s17+$0x2850 ss:$0x81] =	vst.msk $0xffff, v3  }
0x4d: {  	s20 =	sshra.s32 s18, $0x2;
	s18 =	smov.u32 s19;
	v7 =	vld [tilespmem:s16+$0xFFFFFFF0];
	[tilespmem:s17+$0x3060 ss:$0x81] =	vst.msk $0xffff, v2  }
.Ltmp3:
0x4e: {  	v4 =	vld [tilespmem:s16+$0x0];
	[tilespmem:s17+$0x0 ss:$0x81] =	vst.msk $0xffff, v0;
	s17 =	sadd.s32 s20, s15;
	(pc) =	sbr.rel @p1 .LBB1_3-.Ltmp3, $4  }
0x4f: {  	v3 =	vld [tilespmem:s16+$0x10];
	[tilespmem:s17+$0x3870 ss:$0x81] =	vst.msk $0xffff, v1  }
0x50: {  	[tilespmem:s17+$0x810 ss:$0x81] =	vst.msk $0xffff, v5;
	v2 =	vld [tilespmem:s16+$0x20]  }
0x51: {  	v0 =	vld [tilespmem:s16+$0xFFFFFFC0];
	[tilespmem:s17+$0x1020 ss:$0x81] =	vst.msk $0xffff, v6;
	s16 =	sadd.s32 $0x80, s16  }
0x52: {  	s19 =	sadd.s32 $0x4, s19;
	v1 =	vld [tilespmem:s16+$0x30];
	[tilespmem:s17+$0x1830 ss:$0x81] =	vst.msk $0xffff, v7  }
.Ltmp4:
0x53: {  	_ = 	snop;
	(pc) =	sbr.rel .LBB1_4-.Ltmp4, $1  }
0x54: {  	_ =	sdelay $0x3  }
.LBB1_6:
0x55: {  	_ =	sfence.sel $0x180000  }
0x56: {  	s2 =	simm.s32 $0x1;
	[bflag:$0x0] =	sbarrier.arrive $0xFFFF  }
0x57: {  	s31 =	simm.s32 $0x2;
	[sflag:s2] =	ssyncpa.u1 $0x1  }
0x58: {  	[sflag:s31] =	ssyncpa.u1 $0x1  }
0x59: {  	p0 =	sne.s32 s0, $0x0;
	_ =	strace $0x9000004A  }
0x5a: {  	s0 =	sadd.s32 @!p0 $0x100000, s1;
	[bflag:$0x2] =	sbarrier.arrive $0xFFFF  }
0x5b: {  	[sflag:s0] =	ssyncadd.tile.s32 @!p0 $0x1;
	_ =	shalt  }
.Lfunc_end1:
_tile_overlayer_lowered:
.L_overlay_start_2:
0x5c: {  	(tag) =	ssettag $0x2  }
0x5d: {  	s0 =	rddreg [dreg:$0x0];
	s2 =	stileid.u32  }
0x5e: {  	s1 =	rddreg [dreg:$0x1];
	p0 =	sne.s32 s2, $0x0  }
0x5f: {  	s3 =	rddreg [dreg:$0x2];
	[bflag:$0x3] =	sbarrier.arrive $0xFFFF;
	s2 =	simm.s32 @!p0 $0x1C01  }
0x60: {  	[timem:s3], [sflag:s2] =	dma.local @!p0 [hbm:s0], s1  }
0x61: {  	s0 =	simm.s32 @!p0 $0x1  }
0x62: {  	_ =	swait.ge @!p0 [sflag:s0], s1  }
0x63: {  	s1 =	ssub.s32 @!p0 $0x0, s1;
	[sflag:s0] =	ssyncset.done @!p0 $0x0  }
0x64: {  	[sflag:s0] =	ssyncadd.s32 @!p0 s1  }
0x65: {  	[bflag:$0x3] =	sbarrier.arrive $0xFFFF  }
0x66: {  	_ =	shalt  }

</sc_bundles>
